<compile_context>
chip_gen: v7x
topology: tpu7x:2x2x1
jax: 0.10.2.dev20260603
libtpu: 0.0.44.dev20260713+nightly
codegen_flags: <defaults>
</compile_context>

<pallas_src>
import functools

import jax
import jax.numpy as jnp
from jax import lax
from jax.experimental import pallas as pl
from jax.experimental.pallas import tpu as pltpu
from jax.experimental.pallas import tpu_sc as plsc

VOCAB = 1000000
COL = 64
NC = 2
NS = 16
NW = NC * NS
VCHUNK = 256
NFULL = VOCAB // VCHUNK
TAILV0 = NFULL * VCHUNK
TAILW = 128
PAIRS = (TAILV0 + TAILW) // 2
VROWS = 2 * PAIRS

_mesh = lambda: plsc.VectorSubcoreMesh(core_axis_name="c", subcore_axis_name="s")


def _iota16():
    return lax.iota(jnp.int32, 16)


def _transpose_table():

    @functools.partial(
        pl.kernel,
        mesh=_mesh(),
        out_type=jax.ShapeDtypeStruct((PAIRS, 128), jnp.float32),
        scratch_types=[
            pltpu.VMEM((COL, VCHUNK), jnp.float32),
            pltpu.VMEM((COL, VCHUNK), jnp.float32),
            pltpu.VMEM((VCHUNK // 2, 134), jnp.float32),
            pltpu.VMEM((VCHUNK // 2, 134), jnp.float32),
            pltpu.VMEM((COL, TAILW), jnp.float32),
            pltpu.VMEM((TAILW // 2, 134), jnp.float32),
            pltpu.SemaphoreType.DMA,
            pltpu.SemaphoreType.DMA,
            pltpu.SemaphoreType.DMA,
            pltpu.SemaphoreType.DMA,
        ],
        compiler_params=pltpu.CompilerParams(needs_layout_passes=False),
    )
    def k(wt_hbm, t2_hbm, st0, st1, ov0, ov1, stt, ovt, rs0, rs1, ws0, ws1):
        wid = lax.axis_index("s") * NC + lax.axis_index("c")
        nw = jnp.where(wid < NFULL % NW, NFULL // NW + 1, NFULL // NW)

        def start_read(k_ord, stage, rsem):
            v0 = pl.multiple_of((wid + k_ord * NW) * VCHUNK, VCHUNK)
            for j in range(8):
                pltpu.async_copy(wt_hbm.at[pl.ds(8 * j, 8), pl.ds(v0, VCHUNK)],
                                 stage.at[pl.ds(8 * j, 8)], rsem)

        def wait_read(stage, rsem):
            for j in range(8):
                pltpu.make_async_copy(
                    wt_hbm.at[pl.ds(0, 8), pl.ds(0, VCHUNK)],
                    stage.at[pl.ds(0, 8)], rsem).wait()

        def transpose(stage, out, vn):
            h = [lax.shift_right_logical(_iota16() + 16 * g3, 1)
                 for g3 in range(4)]
            par64 = jnp.bitwise_and(_iota16(), 1) * 64
            nq = vn // 64
            qshift = nq.bit_length() - 1

            @plsc.parallel_loop(0, COL * nq, unroll=4)
            def _(t):
                c = lax.shift_right_logical(t, qshift)
                q = jnp.bitwise_and(t, nq - 1)
                colv = par64 + c
                base = q * 32
                for g3 in range(4):
                    plsc.store_scatter(
                        out, [h[g3] + base, colv],
                        stage[c, pl.ds(q * 64 + 16 * g3, 16)])

        def slot(k_ord, stage, out, rsem, wsem):
            @pl.when(k_ord < nw)
            def _():
                wait_read(stage, rsem)

                @pl.when(k_ord >= 2)
                def _():
                    pltpu.make_async_copy(
                        out.at[:, pl.ds(0, 128)],
                        t2_hbm.at[pl.ds(0, VCHUNK // 2)], wsem).wait()

                transpose(stage, out, VCHUNK)
                p0 = pl.multiple_of(
                    (wid + k_ord * NW) * (VCHUNK // 2), VCHUNK // 2)
                pltpu.async_copy(
                    out.at[:, pl.ds(0, 128)],
                    t2_hbm.at[pl.ds(p0, VCHUNK // 2)], wsem)

                @pl.when(k_ord + 2 < nw)
                def _():
                    start_read(k_ord + 2, stage, rsem)

        start_read(0, st0, rs0)
        start_read(1, st1, rs1)

        def body(j, carry):
            slot(2 * j, st0, ov0, rs0, ws0)
            slot(2 * j + 1, st1, ov1, rs1, ws1)
            return carry

        lax.fori_loop(0, (NFULL // NW + 2) // 2, body, 0)

        @pl.when(wid == NW - 1)
        def _():
            t0 = pl.multiple_of(jnp.int32(TAILV0), TAILW)
            for j in range(8):
                pltpu.sync_copy(wt_hbm.at[pl.ds(8 * j, 8), pl.ds(t0, TAILW)],
                                stt.at[pl.ds(8 * j, 8)])
            transpose(stt, ovt, TAILW)
            pltpu.sync_copy(ovt.at[:, pl.ds(0, 128)],
                            t2_hbm.at[pl.ds(TAILV0 // 2, TAILW // 2)])

        pltpu.make_async_copy(ov0.at[:, pl.ds(0, 128)],
                              t2_hbm.at[pl.ds(0, VCHUNK // 2)], ws0).wait()
        pltpu.make_async_copy(ov1.at[:, pl.ds(0, 128)],
                              t2_hbm.at[pl.ds(0, VCHUNK // 2)], ws1).wait()

    return k



VB = 2048
NBLK = -(-VOCAB // VB)
TROWS = NBLK * VB


def _repack_table_tc():

    @functools.partial(
        pl.pallas_call,
        grid=(NBLK,),
        in_specs=[pl.BlockSpec((COL, VB), lambda i: (0, i))],
        out_specs=pl.BlockSpec((VB // 2, 128), lambda i: (i, 0)),
        out_shape=jax.ShapeDtypeStruct((TROWS // 2, 128), jnp.float32),
    )
    def k(w_ref, o_ref):
        t = w_ref[...].T.reshape(VB // 2, 2, COL)
        o_ref[...] = jnp.concatenate([t[:, 0, :], t[:, 1, :]], axis=1)

    return k


def _gather_out(seq: int, batch: int):
    bw = 128
    nbt = batch // 128
    nst = seq // 8
    ng = bw // 16

    @functools.partial(
        pl.kernel,
        mesh=_mesh(),
        out_type=jax.ShapeDtypeStruct((seq, COL // 8, nbt, 8, 128),
                                      jnp.float32),
        scratch_types=[
            pltpu.VMEM((nst, 8, bw), jnp.int32),
            pltpu.VMEM((bw, COL), jnp.float32),
            pltpu.VMEM((bw, COL), jnp.float32),
            pltpu.VMEM((COL // 8, 8, bw + 5), jnp.float32),
            pltpu.VMEM((COL // 8, 8, bw + 5), jnp.float32),
            pltpu.SemaphoreType.DMA,
            pltpu.SemaphoreType.DMA,
            pltpu.SemaphoreType.DMA,
            pltpu.SemaphoreType.DMA,
        ],
        compiler_params=pltpu.CompilerParams(
            use_tc_tiling_on_sc=False, needs_layout_passes=False),
    )
    def k(x5_hbm, t2_hbm, o5_hbm, xv, rv0, rv1, ov0, ov1, gs0, gs1, ws0, ws1):
        wid = lax.axis_index("s") * NC + lax.axis_index("c")
        pltpu.sync_copy(x5_hbm.at[:, wid], xv)

        def idx_row(s):
            return xv.at[lax.div(s, 8), lax.rem(s, 8)]

        def transpose(rows_ref, out):
            i0 = [lax.shift_right_logical(_iota16() + 16 * g2, 3)
                  for g2 in range(COL // 16)]
            i1 = [jnp.bitwise_and(_iota16() + 16 * g2, 7)
                  for g2 in range(COL // 16)]

            @plsc.parallel_loop(0, bw, unroll=4)
            def _(b):
                bidx = jnp.broadcast_to(b, (16,)).astype(jnp.int32)
                for g2 in range(COL // 16):
                    plsc.store_scatter(out, [i0[g2], i1[g2], bidx],
                                       rows_ref[b, pl.ds(16 * g2, 16)])

        def slot(s, rows_ref, out, gsem, wsem):
            pltpu.make_async_copy(t2_hbm.at[idx_row(s)], rows_ref, gsem).wait()

            @pl.when(s >= 2)
            def _():
                pltpu.make_async_copy(
                    out.at[:, :, pl.ds(0, bw)], o5_hbm.at[0, :, wid],
                    wsem).wait()

            transpose(rows_ref, out)
            pltpu.async_copy(out.at[:, :, pl.ds(0, bw)],
                             o5_hbm.at[s, :, wid], wsem)

            @pl.when(s + 2 < seq)
            def _():
                pltpu.async_copy(t2_hbm.at[idx_row(s + 2)], rows_ref, gsem)

        pltpu.async_copy(t2_hbm.at[idx_row(0)], rv0, gs0)
        pltpu.async_copy(t2_hbm.at[idx_row(1)], rv1, gs1)

        def body(i, carry):
            slot(2 * i, rv0, ov0, gs0, ws0)
            slot(2 * i + 1, rv1, ov1, gs1, ws1)
            return carry

        lax.fori_loop(0, seq // 2, body, 0)
        pltpu.make_async_copy(
            ov0.at[:, :, pl.ds(0, bw)], o5_hbm.at[0, :, wid], ws0).wait()
        pltpu.make_async_copy(
            ov1.at[:, :, pl.ds(0, bw)], o5_hbm.at[0, :, wid], ws1).wait()

    return k


def kernel(x, embed_weight):
    batch, seq = x.shape
    x5 = (x.astype(jnp.int32).T
          .reshape(seq // 8, 8, batch // 128, 128)
          .transpose(0, 2, 1, 3))
    wt = embed_weight.T
    t2p = _repack_table_tc()(wt)
    t2 = t2p.reshape(TROWS, COL)
    o5 = _gather_out(seq, batch)(x5, t2)
    return (o5.transpose(2, 4, 0, 1, 3)
            .reshape(batch, seq, COL))

# --- scband reference (transcript-rebuilt; emitter-appended) ---
"""Pipeline reference for scband-glove-2448131359305 (READ-ONLY COPY).

The authoritative reference and input builder live on the scoring server;
editing this copy changes nothing except your own understanding.
"""

import jax, jax.numpy as jnp
import numpy as np

VOCAB = 1000000
COL = 64
BATCH = 4096
SEQ = 200

def setup_inputs(seed: int = 0) -> dict:
    key = jax.random.key(seed)
    k1, k2 = jax.random.split(key)
    x = jax.random.randint(k1, (BATCH, SEQ), 0, VOCAB, dtype=jnp.int64 if jax.config.jax_enable_x64 else jnp.int32)
    # learned embedding table (Embedder.embed.weight), pretrained-copied in the original
    embed_weight = jax.random.normal(k2, (VOCAB, COL), dtype=jnp.float32) * 0.02
    return {"x": x, "embed_weight": embed_weight}

def reference(x, embed_weight):
    # Glove.forward -> Embedder(x): embedding lookup (dropout is identity in eval mode)
    out = jnp.take(embed_weight, x, axis=0)
    return out

if __name__ == "__main__":
    import jax
    _d = setup_inputs()
    print(jax.jit(kernel)(*tuple(_d.values())))

</pallas_src>

<mosaic_0001>
#map = affine_map<(d0, d1) -> (0, 0, 0, 0)>
#map1 = affine_map<(d0, d1) -> (0, 0)>
#map2 = affine_map<(d0, d1) -> (0, 0, 0, 0, 0)>
module attributes {stable_mosaic.version = 14 : i64} {
  func.func @k(%arg0: i32, %arg1: i32, %arg2: memref<25x32x8x128xi32, #tpu.memory_space<hbm>>, %arg3: memref<1001472x64xf32, #tpu.memory_space<hbm>>, %arg4: memref<200x8x32x8x128xf32, #tpu.memory_space<hbm>>, %arg5: memref<25x8x128xi32, #tpu.memory_space<vmem>>, %arg6: memref<128x64xf32, #tpu.memory_space<vmem>>, %arg7: memref<128x64xf32, #tpu.memory_space<vmem>>, %arg8: memref<8x8x133xf32, #tpu.memory_space<vmem>>, %arg9: memref<8x8x133xf32, #tpu.memory_space<vmem>>, %arg10: memref<!tpu.dma_semaphore, #tpu.memory_space<semaphore_mem>>, %arg11: memref<!tpu.dma_semaphore, #tpu.memory_space<semaphore_mem>>, %arg12: memref<!tpu.dma_semaphore, #tpu.memory_space<semaphore_mem>>, %arg13: memref<!tpu.dma_semaphore, #tpu.memory_space<semaphore_mem>>) attributes {dimension_semantics = [#tpu.dimension_semantics<core_parallel>, #tpu.dimension_semantics<subcore_parallel>], iteration_bounds = array<i64: 2, 16>, scalar_prefetch = 0 : i64, scratch_operands = 9 : i64, tpu.core_type = #tpu.core_type<sc_vector_subcore>, window_params = [{transform_indices = #map}, {transform_indices = #map1}, {transform_indices = #map2}]} {
    %mul3A = arith.constant 2 : i32
    %mul3A_0 = arith.muli %arg1, %mul3A : i32
    %add3A = arith.addi %mul3A_0, %arg0 : i32
    "tpu.region"() ({
      %run_scoped3A = tpu.sem_alloc : memref<!tpu.dma_semaphore, #tpu.memory_space<semaphore_mem>>
      %dma_start3A_64 = arith.constant 0 : i32
      %dma_start3A_65 = arith.constant 0 : i32
      %dma_start3A_66 = arith.constant 0 : i32
      %dma_start3A_67 = tpu.memref_slice %arg2[%dma_start3A_64, %add3A, %dma_start3A_65, %dma_start3A_66] : memref<25x32x8x128xi32, #tpu.memory_space<hbm>> -> memref<25x1x8x128xi32, #tpu.memory_space<hbm>>
      %dma_start3A_68 = tpu.memref_squeeze %dma_start3A_67 : memref<25x1x8x128xi32, #tpu.memory_space<hbm>> -> memref<25x8x128xi32, #tpu.memory_space<hbm>>
      %dma_start3A_69 = arith.constant 0 : i32
      %dma_start3A_70 = arith.constant 0 : i32
      %dma_start3A_71 = arith.constant 0 : i32
      %dma_start3A_72 = tpu.memref_slice %arg2[%dma_start3A_69, %add3A, %dma_start3A_70, %dma_start3A_71] : memref<25x32x8x128xi32, #tpu.memory_space<hbm>> -> memref<25x1x8x128xi32, #tpu.memory_space<hbm>>
      %dma_start3A_73 = tpu.memref_squeeze %dma_start3A_72 : memref<25x1x8x128xi32, #tpu.memory_space<hbm>> -> memref<25x8x128xi32, #tpu.memory_space<hbm>>
      tpu.enqueue_dma source(%dma_start3A_73 : memref<25x8x128xi32, #tpu.memory_space<hbm>>) target(%arg5 : memref<25x8x128xi32, #tpu.memory_space<vmem>>) target_semaphore(%run_scoped3A : memref<!tpu.dma_semaphore, #tpu.memory_space<semaphore_mem>>)
      %dma_wait3A_74 = arith.constant 0 : i32
      %dma_wait3A_75 = arith.constant 0 : i32
      %dma_wait3A_76 = arith.constant 0 : i32
      %dma_wait3A_77 = tpu.memref_slice %arg2[%dma_wait3A_74, %add3A, %dma_wait3A_75, %dma_wait3A_76] : memref<25x32x8x128xi32, #tpu.memory_space<hbm>> -> memref<25x1x8x128xi32, #tpu.memory_space<hbm>>
      %dma_wait3A_78 = tpu.memref_squeeze %dma_wait3A_77 : memref<25x1x8x128xi32, #tpu.memory_space<hbm>> -> memref<25x8x128xi32, #tpu.memory_space<hbm>>
      %dma_wait3A_79 = arith.constant 0 : i32
      %dma_wait3A_80 = arith.constant 0 : i32
      %dma_wait3A_81 = arith.constant 0 : i32
      %dma_wait3A_82 = tpu.memref_slice %arg2[%dma_wait3A_79, %add3A, %dma_wait3A_80, %dma_wait3A_81] : memref<25x32x8x128xi32, #tpu.memory_space<hbm>> -> memref<25x1x8x128xi32, #tpu.memory_space<hbm>>
      %dma_wait3A_83 = tpu.memref_squeeze %dma_wait3A_82 : memref<25x1x8x128xi32, #tpu.memory_space<hbm>> -> memref<25x8x128xi32, #tpu.memory_space<hbm>>
      tpu.wait_dma2 semaphore(%run_scoped3A : memref<!tpu.dma_semaphore, #tpu.memory_space<semaphore_mem>>) src(%dma_wait3A_83 : memref<25x8x128xi32, #tpu.memory_space<hbm>>) dst(%arg5 : memref<25x8x128xi32, #tpu.memory_space<vmem>>)
      tpu.yield
    }) : () -> ()
    %div3A = arith.constant 0 : i32
    %div3A_1 = arith.constant 8 : i32
    %div3A_2 = arith.divsi %div3A, %div3A_1 : i32
    %rem3A = arith.constant 0 : i32
    %rem3A_3 = arith.constant 8 : i32
    %rem3A_4 = arith.remsi %rem3A, %rem3A_3 : i32
    %dma_start3A = arith.constant 0 : i32
    %dma_start3A_5 = tpu.memref_slice %arg5[%div3A_2, %rem3A_4, %dma_start3A] : memref<25x8x128xi32, #tpu.memory_space<vmem>> -> memref<1x1x128xi32, #tpu.memory_space<vmem>>
    %dma_start3A_6 = tpu.memref_squeeze %dma_start3A_5 : memref<1x1x128xi32, #tpu.memory_space<vmem>> -> memref<128xi32, #tpu.memory_space<vmem>>
    %dma_start3A_7 = arith.constant 0 : i32
    %dma_start3A_8 = arith.constant 0 : i32
    %dma_start3A_9 = tpu.memref_slice %arg3[%dma_start3A_7, %dma_start3A_8] : memref<1001472x64xf32, #tpu.memory_space<hbm>> -> memref<1001472x64xf32, #tpu.memory_space<hbm>>
    tpu.enqueue_indirect_dma source(%dma_start3A_9 : memref<1001472x64xf32, #tpu.memory_space<hbm>>) target(%arg6 : memref<128x64xf32, #tpu.memory_space<vmem>>) offsets(%dma_start3A_6 : memref<128xi32, #tpu.memory_space<vmem>>) semaphore(%arg10 : memref<!tpu.dma_semaphore, #tpu.memory_space<semaphore_mem>>)
    %div3A_10 = arith.constant 1 : i32
    %div3A_11 = arith.constant 8 : i32
    %div3A_12 = arith.divsi %div3A_10, %div3A_11 : i32
    %rem3A_13 = arith.constant 1 : i32
    %rem3A_14 = arith.constant 8 : i32
    %rem3A_15 = arith.remsi %rem3A_13, %rem3A_14 : i32
    %dma_start3A_16 = arith.constant 0 : i32
    %dma_start3A_17 = tpu.memref_slice %arg5[%div3A_12, %rem3A_15, %dma_start3A_16] : memref<25x8x128xi32, #tpu.memory_space<vmem>> -> memref<1x1x128xi32, #tpu.memory_space<vmem>>
    %dma_start3A_18 = tpu.memref_squeeze %dma_start3A_17 : memref<1x1x128xi32, #tpu.memory_space<vmem>> -> memref<128xi32, #tpu.memory_space<vmem>>
    %dma_start3A_19 = arith.constant 0 : i32
    %dma_start3A_20 = arith.constant 0 : i32
    %dma_start3A_21 = tpu.memref_slice %arg3[%dma_start3A_19, %dma_start3A_20] : memref<1001472x64xf32, #tpu.memory_space<hbm>> -> memref<1001472x64xf32, #tpu.memory_space<hbm>>
    tpu.enqueue_indirect_dma source(%dma_start3A_21 : memref<1001472x64xf32, #tpu.memory_space<hbm>>) target(%arg7 : memref<128x64xf32, #tpu.memory_space<vmem>>) offsets(%dma_start3A_18 : memref<128xi32, #tpu.memory_space<vmem>>) semaphore(%arg11 : memref<!tpu.dma_semaphore, #tpu.memory_space<semaphore_mem>>)
    %scan3A = arith.constant 0 : i32
    %scan3A_22 = arith.constant 0 : i32
    %scan3A_23 = arith.constant 100 : i32
    %scan3A_24 = arith.addi %scan3A_22, %scan3A_23 : i32
    %scan3A_25 = arith.constant 1 : i32
    scf.for %scan3A_64 = %scan3A_22 to %scan3A_24 step %scan3A_25  : i32 {
      %mul3A_65 = arith.constant 2 : i32
      %mul3A_66 = arith.muli %mul3A_65, %scan3A_64 : i32
      %div3A_67 = arith.constant 8 : i32
      %div3A_68 = arith.divsi %mul3A_66, %div3A_67 : i32
      %rem3A_69 = arith.constant 8 : i32
      %rem3A_70 = arith.remsi %mul3A_66, %rem3A_69 : i32
      %dma_wait3A_71 = arith.constant 0 : i32
      %dma_wait3A_72 = tpu.memref_slice %arg5[%div3A_68, %rem3A_70, %dma_wait3A_71] : memref<25x8x128xi32, #tpu.memory_space<vmem>> -> memref<1x1x128xi32, #tpu.memory_space<vmem>>
      %dma_wait3A_73 = tpu.memref_squeeze %dma_wait3A_72 : memref<1x1x128xi32, #tpu.memory_space<vmem>> -> memref<128xi32, #tpu.memory_space<vmem>>
      %dma_wait3A_74 = arith.constant 0 : i32
      %dma_wait3A_75 = arith.constant 0 : i32
      %dma_wait3A_76 = tpu.memref_slice %arg3[%dma_wait3A_74, %dma_wait3A_75] : memref<1001472x64xf32, #tpu.memory_space<hbm>> -> memref<1001472x64xf32, #tpu.memory_space<hbm>>
      tpu.wait_indirect_dma semaphore(%arg10 : memref<!tpu.dma_semaphore, #tpu.memory_space<semaphore_mem>>) src(%dma_wait3A_76 : memref<1001472x64xf32, #tpu.memory_space<hbm>>) dst(%arg6 : memref<128x64xf32, #tpu.memory_space<vmem>>)
      %ge3A = arith.constant 2 : i32
      %ge3A_77 = arith.cmpi sge, %mul3A_66, %ge3A : i32
      %convert_element_type3A = arith.extui %ge3A_77 : i1 to i32
      %cond3A = arith.constant 0 : i32
      %cond3A_78 = arith.cmpi ne, %convert_element_type3A, %cond3A : i32
      scf.if %cond3A_78 {
        %dma_wait3A_261 = arith.constant 0 : i32
        %dma_wait3A_262 = arith.constant 0 : i32
        %dma_wait3A_263 = arith.constant 0 : i32
        %dma_wait3A_264 = arith.constant 0 : i32
        %dma_wait3A_265 = tpu.memref_slice %arg8[%dma_wait3A_262, %dma_wait3A_263, %dma_wait3A_264] : memref<8x8x133xf32, #tpu.memory_space<vmem>> -> memref<8x8x128xf32, #tpu.memory_space<vmem>>
        %dma_wait3A_266 = arith.constant 0 : i32
        %dma_wait3A_267 = arith.constant 0 : i32
        %dma_wait3A_268 = arith.constant 0 : i32
        %dma_wait3A_269 = tpu.memref_slice %arg4[%dma_wait3A_261, %dma_wait3A_266, %add3A, %dma_wait3A_267, %dma_wait3A_268] : memref<200x8x32x8x128xf32, #tpu.memory_space<hbm>> -> memref<1x8x1x8x128xf32, #tpu.memory_space<hbm>>
        %dma_wait3A_270 = tpu.memref_squeeze %dma_wait3A_269 : memref<1x8x1x8x128xf32, #tpu.memory_space<hbm>> -> memref<8x8x128xf32, #tpu.memory_space<hbm>>
        %dma_wait3A_271 = arith.constant 0 : i32
        %dma_wait3A_272 = arith.constant 0 : i32
        %dma_wait3A_273 = arith.constant 0 : i32
        %dma_wait3A_274 = tpu.memref_slice %arg4[%dma_wait3A_261, %dma_wait3A_271, %add3A, %dma_wait3A_272, %dma_wait3A_273] : memref<200x8x32x8x128xf32, #tpu.memory_space<hbm>> -> memref<1x8x1x8x128xf32, #tpu.memory_space<hbm>>
        %dma_wait3A_275 = tpu.memref_squeeze %dma_wait3A_274 : memref<1x8x1x8x128xf32, #tpu.memory_space<hbm>> -> memref<8x8x128xf32, #tpu.memory_space<hbm>>
        %dma_wait3A_276 = arith.constant 0 : i32
        %dma_wait3A_277 = arith.constant 0 : i32
        %dma_wait3A_278 = arith.constant 0 : i32
        %dma_wait3A_279 = tpu.memref_slice %arg8[%dma_wait3A_276, %dma_wait3A_277, %dma_wait3A_278] : memref<8x8x133xf32, #tpu.memory_space<vmem>> -> memref<8x8x128xf32, #tpu.memory_space<vmem>>
        tpu.wait_dma2 semaphore(%arg12 : memref<!tpu.dma_semaphore, #tpu.memory_space<semaphore_mem>>) src(%dma_wait3A_279 : memref<8x8x128xf32, #tpu.memory_space<vmem>>) dst(%dma_wait3A_275 : memref<8x8x128xf32, #tpu.memory_space<hbm>>)
      } else {
      }
      %iota3A = tpu.iota {dimensions = array<i32: 0>} : vector<16xi32>
      %add3A_79 = arith.constant 0 : i32
      %add3A_80 = vector.broadcast %add3A_79 : i32 to vector<16xi32>
      %add3A_81 = arith.addi %iota3A, %add3A_80 : vector<16xi32>
      %shift_right_logical3A = arith.constant 3 : i32
      %shift_right_logical3A_82 = vector.broadcast %shift_right_logical3A : i32 to vector<16xi32>
      %shift_right_logical3A_83 = arith.shrui %add3A_81, %shift_right_logical3A_82 : vector<16xi32>
      %iota3A_84 = tpu.iota {dimensions = array<i32: 0>} : vector<16xi32>
      %add3A_85 = arith.constant 16 : i32
      %add3A_86 = vector.broadcast %add3A_85 : i32 to vector<16xi32>
      %add3A_87 = arith.addi %iota3A_84, %add3A_86 : vector<16xi32>
      %shift_right_logical3A_88 = arith.constant 3 : i32
      %shift_right_logical3A_89 = vector.broadcast %shift_right_logical3A_88 : i32 to vector<16xi32>
      %shift_right_logical3A_90 = arith.shrui %add3A_87, %shift_right_logical3A_89 : vector<16xi32>
      %iota3A_91 = tpu.iota {dimensions = array<i32: 0>} : vector<16xi32>
      %add3A_92 = arith.constant 32 : i32
      %add3A_93 = vector.broadcast %add3A_92 : i32 to vector<16xi32>
      %add3A_94 = arith.addi %iota3A_91, %add3A_93 : vector<16xi32>
      %shift_right_logical3A_95 = arith.constant 3 : i32
      %shift_right_logical3A_96 = vector.broadcast %shift_right_logical3A_95 : i32 to vector<16xi32>
      %shift_right_logical3A_97 = arith.shrui %add3A_94, %shift_right_logical3A_96 : vector<16xi32>
      %iota3A_98 = tpu.iota {dimensions = array<i32: 0>} : vector<16xi32>
      %add3A_99 = arith.constant 48 : i32
      %add3A_100 = vector.broadcast %add3A_99 : i32 to vector<16xi32>
      %add3A_101 = arith.addi %iota3A_98, %add3A_100 : vector<16xi32>
      %shift_right_logical3A_102 = arith.constant 3 : i32
      %shift_right_logical3A_103 = vector.broadcast %shift_right_logical3A_102 : i32 to vector<16xi32>
      %shift_right_logical3A_104 = arith.shrui %add3A_101, %shift_right_logical3A_103 : vector<16xi32>
      %iota3A_105 = tpu.iota {dimensions = array<i32: 0>} : vector<16xi32>
      %add3A_106 = arith.constant 0 : i32
      %add3A_107 = vector.broadcast %add3A_106 : i32 to vector<16xi32>
      %add3A_108 = arith.addi %iota3A_105, %add3A_107 : vector<16xi32>
      %and3A = arith.constant 7 : i32
      %and3A_109 = vector.broadcast %and3A : i32 to vector<16xi32>
      %and3A_110 = arith.andi %add3A_108, %and3A_109 : vector<16xi32>
      %iota3A_111 = tpu.iota {dimensions = array<i32: 0>} : vector<16xi32>
      %add3A_112 = arith.constant 16 : i32
      %add3A_113 = vector.broadcast %add3A_112 : i32 to vector<16xi32>
      %add3A_114 = arith.addi %iota3A_111, %add3A_113 : vector<16xi32>
      %and3A_115 = arith.constant 7 : i32
      %and3A_116 = vector.broadcast %and3A_115 : i32 to vector<16xi32>
      %and3A_117 = arith.andi %add3A_114, %and3A_116 : vector<16xi32>
      %iota3A_118 = tpu.iota {dimensions = array<i32: 0>} : vector<16xi32>
      %add3A_119 = arith.constant 32 : i32
      %add3A_120 = vector.broadcast %add3A_119 : i32 to vector<16xi32>
      %add3A_121 = arith.addi %iota3A_118, %add3A_120 : vector<16xi32>
      %and3A_122 = arith.constant 7 : i32
      %and3A_123 = vector.broadcast %and3A_122 : i32 to vector<16xi32>
      %and3A_124 = arith.andi %add3A_121, %and3A_123 : vector<16xi32>
      %iota3A_125 = tpu.iota {dimensions = array<i32: 0>} : vector<16xi32>
      %add3A_126 = arith.constant 48 : i32
      %add3A_127 = vector.broadcast %add3A_126 : i32 to vector<16xi32>
      %add3A_128 = arith.addi %iota3A_125, %add3A_127 : vector<16xi32>
      %and3A_129 = arith.constant 7 : i32
      %and3A_130 = vector.broadcast %and3A_129 : i32 to vector<16xi32>
      %and3A_131 = arith.andi %add3A_128, %and3A_130 : vector<16xi32>
      %parallel_loop3A = arith.constant 0 : i32
      %parallel_loop3A_132 = arith.constant 128 : i32
      %parallel_loop3A_133 = arith.constant 1 : i32
      scf.for %parallel_loop3A_261 = %parallel_loop3A to %parallel_loop3A_132 step %parallel_loop3A_133  : i32 {
        %parallel_loop3A_262 = vector.broadcast %parallel_loop3A_261 : i32 to vector<16xi32>
        %parallel_loop3A_263 = arith.index_cast %parallel_loop3A_261 : i32 to index
        %parallel_loop3A_264 = arith.constant 0 : index
        %parallel_loop3A_265 = tpu.vector_load %arg6[%parallel_loop3A_263, %parallel_loop3A_264] {strides = array<i32>} : memref<128x64xf32, #tpu.memory_space<vmem>>, vector<16xf32>,
        tpu.vector_store_idx %arg8[%shift_right_logical3A_83, %and3A_110, %parallel_loop3A_262], %parallel_loop3A_265 : memref<8x8x133xf32, #tpu.memory_space<vmem>>[vector<16xi32>, vector<16xi32>, vector<16xi32>], vector<16xf32>,
        %parallel_loop3A_266 = arith.index_cast %parallel_loop3A_261 : i32 to index
        %parallel_loop3A_267 = arith.constant 16 : index
        %parallel_loop3A_268 = tpu.vector_load %arg6[%parallel_loop3A_266, %parallel_loop3A_267] {strides = array<i32>} : memref<128x64xf32, #tpu.memory_space<vmem>>, vector<16xf32>,
        tpu.vector_store_idx %arg8[%shift_right_logical3A_90, %and3A_117, %parallel_loop3A_262], %parallel_loop3A_268 : memref<8x8x133xf32, #tpu.memory_space<vmem>>[vector<16xi32>, vector<16xi32>, vector<16xi32>], vector<16xf32>,
        %parallel_loop3A_269 = arith.index_cast %parallel_loop3A_261 : i32 to index
        %parallel_loop3A_270 = arith.constant 32 : index
        %parallel_loop3A_271 = tpu.vector_load %arg6[%parallel_loop3A_269, %parallel_loop3A_270] {strides = array<i32>} : memref<128x64xf32, #tpu.memory_space<vmem>>, vector<16xf32>,
        tpu.vector_store_idx %arg8[%shift_right_logical3A_97, %and3A_124, %parallel_loop3A_262], %parallel_loop3A_271 : memref<8x8x133xf32, #tpu.memory_space<vmem>>[vector<16xi32>, vector<16xi32>, vector<16xi32>], vector<16xf32>,
        %parallel_loop3A_272 = arith.index_cast %parallel_loop3A_261 : i32 to index
        %parallel_loop3A_273 = arith.constant 48 : index
        %parallel_loop3A_274 = tpu.vector_load %arg6[%parallel_loop3A_272, %parallel_loop3A_273] {strides = array<i32>} : memref<128x64xf32, #tpu.memory_space<vmem>>, vector<16xf32>,
        tpu.vector_store_idx %arg8[%shift_right_logical3A_104, %and3A_131, %parallel_loop3A_262], %parallel_loop3A_274 : memref<8x8x133xf32, #tpu.memory_space<vmem>>[vector<16xi32>, vector<16xi32>, vector<16xi32>], vector<16xf32>,
      } {sc.loop_unroll_factor = 4 : i64, sc.parallel_access}
      %dma_start3A_134 = arith.constant 0 : i32
      %dma_start3A_135 = arith.constant 0 : i32
      %dma_start3A_136 = arith.constant 0 : i32
      %dma_start3A_137 = tpu.memref_slice %arg8[%dma_start3A_134, %dma_start3A_135, %dma_start3A_136] : memref<8x8x133xf32, #tpu.memory_space<vmem>> -> memref<8x8x128xf32, #tpu.memory_space<vmem>>
      %dma_start3A_138 = arith.constant 0 : i32
      %dma_start3A_139 = arith.constant 0 : i32
      %dma_start3A_140 = arith.constant 0 : i32
      %dma_start3A_141 = tpu.memref_slice %arg4[%mul3A_66, %dma_start3A_138, %add3A, %dma_start3A_139, %dma_start3A_140] : memref<200x8x32x8x128xf32, #tpu.memory_space<hbm>> -> memref<1x8x1x8x128xf32, #tpu.memory_space<hbm>>
      %dma_start3A_142 = tpu.memref_squeeze %dma_start3A_141 : memref<1x8x1x8x128xf32, #tpu.memory_space<hbm>> -> memref<8x8x128xf32, #tpu.memory_space<hbm>>
      %dma_start3A_143 = arith.constant 0 : i32
      %dma_start3A_144 = arith.constant 0 : i32
      %dma_start3A_145 = arith.constant 0 : i32
      %dma_start3A_146 = tpu.memref_slice %arg4[%mul3A_66, %dma_start3A_143, %add3A, %dma_start3A_144, %dma_start3A_145] : memref<200x8x32x8x128xf32, #tpu.memory_space<hbm>> -> memref<1x8x1x8x128xf32, #tpu.memory_space<hbm>>
      %dma_start3A_147 = tpu.memref_squeeze %dma_start3A_146 : memref<1x8x1x8x128xf32, #tpu.memory_space<hbm>> -> memref<8x8x128xf32, #tpu.memory_space<hbm>>
      %dma_start3A_148 = arith.constant 0 : i32
      %dma_start3A_149 = arith.constant 0 : i32
      %dma_start3A_150 = arith.constant 0 : i32
      %dma_start3A_151 = tpu.memref_slice %arg8[%dma_start3A_148, %dma_start3A_149, %dma_start3A_150] : memref<8x8x133xf32, #tpu.memory_space<vmem>> -> memref<8x8x128xf32, #tpu.memory_space<vmem>>
      tpu.enqueue_dma source(%dma_start3A_151 : memref<8x8x128xf32, #tpu.memory_space<vmem>>) target(%dma_start3A_147 : memref<8x8x128xf32, #tpu.memory_space<hbm>>) target_semaphore(%arg12 : memref<!tpu.dma_semaphore, #tpu.memory_space<semaphore_mem>>)
      %add3A_152 = arith.constant 2 : i32
      %add3A_153 = arith.addi %mul3A_66, %add3A_152 : i32
      %lt3A = arith.constant 200 : i32
      %lt3A_154 = arith.cmpi slt, %add3A_153, %lt3A : i32
      %convert_element_type3A_155 = arith.extui %lt3A_154 : i1 to i32
      %cond3A_156 = arith.constant 0 : i32
      %cond3A_157 = arith.cmpi ne, %convert_element_type3A_155, %cond3A_156 : i32
      scf.if %cond3A_157 {
        %add3A_261 = arith.constant 2 : i32
        %add3A_262 = arith.addi %mul3A_66, %add3A_261 : i32
        %div3A_263 = arith.constant 8 : i32
        %div3A_264 = arith.divsi %add3A_262, %div3A_263 : i32
        %rem3A_265 = arith.constant 8 : i32
        %rem3A_266 = arith.remsi %add3A_262, %rem3A_265 : i32
        %dma_start3A_267 = arith.constant 0 : i32
        %dma_start3A_268 = tpu.memref_slice %arg5[%div3A_264, %rem3A_266, %dma_start3A_267] : memref<25x8x128xi32, #tpu.memory_space<vmem>> -> memref<1x1x128xi32, #tpu.memory_space<vmem>>
        %dma_start3A_269 = tpu.memref_squeeze %dma_start3A_268 : memref<1x1x128xi32, #tpu.memory_space<vmem>> -> memref<128xi32, #tpu.memory_space<vmem>>
        %dma_start3A_270 = arith.constant 0 : i32
        %dma_start3A_271 = arith.constant 0 : i32
        %dma_start3A_272 = tpu.memref_slice %arg3[%dma_start3A_270, %dma_start3A_271] : memref<1001472x64xf32, #tpu.memory_space<hbm>> -> memref<1001472x64xf32, #tpu.memory_space<hbm>>
        tpu.enqueue_indirect_dma source(%dma_start3A_272 : memref<1001472x64xf32, #tpu.memory_space<hbm>>) target(%arg6 : memref<128x64xf32, #tpu.memory_space<vmem>>) offsets(%dma_start3A_269 : memref<128xi32, #tpu.memory_space<vmem>>) semaphore(%arg10 : memref<!tpu.dma_semaphore, #tpu.memory_space<semaphore_mem>>)
      } else {
      }
      %mul3A_158 = arith.constant 2 : i32
      %mul3A_159 = arith.muli %mul3A_158, %scan3A_64 : i32
      %add3A_160 = arith.constant 1 : i32
      %add3A_161 = arith.addi %mul3A_159, %add3A_160 : i32
      %div3A_162 = arith.constant 8 : i32
      %div3A_163 = arith.divsi %add3A_161, %div3A_162 : i32
      %rem3A_164 = arith.constant 8 : i32
      %rem3A_165 = arith.remsi %add3A_161, %rem3A_164 : i32
      %dma_wait3A_166 = arith.constant 0 : i32
      %dma_wait3A_167 = tpu.memref_slice %arg5[%div3A_163, %rem3A_165, %dma_wait3A_166] : memref<25x8x128xi32, #tpu.memory_space<vmem>> -> memref<1x1x128xi32, #tpu.memory_space<vmem>>
      %dma_wait3A_168 = tpu.memref_squeeze %dma_wait3A_167 : memref<1x1x128xi32, #tpu.memory_space<vmem>> -> memref<128xi32, #tpu.memory_space<vmem>>
      %dma_wait3A_169 = arith.constant 0 : i32
      %dma_wait3A_170 = arith.constant 0 : i32
      %dma_wait3A_171 = tpu.memref_slice %arg3[%dma_wait3A_169, %dma_wait3A_170] : memref<1001472x64xf32, #tpu.memory_space<hbm>> -> memref<1001472x64xf32, #tpu.memory_space<hbm>>
      tpu.wait_indirect_dma semaphore(%arg11 : memref<!tpu.dma_semaphore, #tpu.memory_space<semaphore_mem>>) src(%dma_wait3A_171 : memref<1001472x64xf32, #tpu.memory_space<hbm>>) dst(%arg7 : memref<128x64xf32, #tpu.memory_space<vmem>>)
      %ge3A_172 = arith.constant 2 : i32
      %ge3A_173 = arith.cmpi sge, %add3A_161, %ge3A_172 : i32
      %convert_element_type3A_174 = arith.extui %ge3A_173 : i1 to i32
      %cond3A_175 = arith.constant 0 : i32
      %cond3A_176 = arith.cmpi ne, %convert_element_type3A_174, %cond3A_175 : i32
      scf.if %cond3A_176 {
        %dma_wait3A_261 = arith.constant 0 : i32
        %dma_wait3A_262 = arith.constant 0 : i32
        %dma_wait3A_263 = arith.constant 0 : i32
        %dma_wait3A_264 = arith.constant 0 : i32
        %dma_wait3A_265 = tpu.memref_slice %arg9[%dma_wait3A_262, %dma_wait3A_263, %dma_wait3A_264] : memref<8x8x133xf32, #tpu.memory_space<vmem>> -> memref<8x8x128xf32, #tpu.memory_space<vmem>>
        %dma_wait3A_266 = arith.constant 0 : i32
        %dma_wait3A_267 = arith.constant 0 : i32
        %dma_wait3A_268 = arith.constant 0 : i32
        %dma_wait3A_269 = tpu.memref_slice %arg4[%dma_wait3A_261, %dma_wait3A_266, %add3A, %dma_wait3A_267, %dma_wait3A_268] : memref<200x8x32x8x128xf32, #tpu.memory_space<hbm>> -> memref<1x8x1x8x128xf32, #tpu.memory_space<hbm>>
        %dma_wait3A_270 = tpu.memref_squeeze %dma_wait3A_269 : memref<1x8x1x8x128xf32, #tpu.memory_space<hbm>> -> memref<8x8x128xf32, #tpu.memory_space<hbm>>
        %dma_wait3A_271 = arith.constant 0 : i32
        %dma_wait3A_272 = arith.constant 0 : i32
        %dma_wait3A_273 = arith.constant 0 : i32
        %dma_wait3A_274 = tpu.memref_slice %arg4[%dma_wait3A_261, %dma_wait3A_271, %add3A, %dma_wait3A_272, %dma_wait3A_273] : memref<200x8x32x8x128xf32, #tpu.memory_space<hbm>> -> memref<1x8x1x8x128xf32, #tpu.memory_space<hbm>>
        %dma_wait3A_275 = tpu.memref_squeeze %dma_wait3A_274 : memref<1x8x1x8x128xf32, #tpu.memory_space<hbm>> -> memref<8x8x128xf32, #tpu.memory_space<hbm>>
        %dma_wait3A_276 = arith.constant 0 : i32
        %dma_wait3A_277 = arith.constant 0 : i32
        %dma_wait3A_278 = arith.constant 0 : i32
        %dma_wait3A_279 = tpu.memref_slice %arg9[%dma_wait3A_276, %dma_wait3A_277, %dma_wait3A_278] : memref<8x8x133xf32, #tpu.memory_space<vmem>> -> memref<8x8x128xf32, #tpu.memory_space<vmem>>
        tpu.wait_dma2 semaphore(%arg13 : memref<!tpu.dma_semaphore, #tpu.memory_space<semaphore_mem>>) src(%dma_wait3A_279 : memref<8x8x128xf32, #tpu.memory_space<vmem>>) dst(%dma_wait3A_275 : memref<8x8x128xf32, #tpu.memory_space<hbm>>)
      } else {
      }
      %iota3A_177 = tpu.iota {dimensions = array<i32: 0>} : vector<16xi32>
      %add3A_178 = arith.constant 0 : i32
      %add3A_179 = vector.broadcast %add3A_178 : i32 to vector<16xi32>
      %add3A_180 = arith.addi %iota3A_177, %add3A_179 : vector<16xi32>
      %shift_right_logical3A_181 = arith.constant 3 : i32
      %shift_right_logical3A_182 = vector.broadcast %shift_right_logical3A_181 : i32 to vector<16xi32>
      %shift_right_logical3A_183 = arith.shrui %add3A_180, %shift_right_logical3A_182 : vector<16xi32>
      %iota3A_184 = tpu.iota {dimensions = array<i32: 0>} : vector<16xi32>
      %add3A_185 = arith.constant 16 : i32
      %add3A_186 = vector.broadcast %add3A_185 : i32 to vector<16xi32>
      %add3A_187 = arith.addi %iota3A_184, %add3A_186 : vector<16xi32>
      %shift_right_logical3A_188 = arith.constant 3 : i32
      %shift_right_logical3A_189 = vector.broadcast %shift_right_logical3A_188 : i32 to vector<16xi32>
      %shift_right_logical3A_190 = arith.shrui %add3A_187, %shift_right_logical3A_189 : vector<16xi32>
      %iota3A_191 = tpu.iota {dimensions = array<i32: 0>} : vector<16xi32>
      %add3A_192 = arith.constant 32 : i32
      %add3A_193 = vector.broadcast %add3A_192 : i32 to vector<16xi32>
      %add3A_194 = arith.addi %iota3A_191, %add3A_193 : vector<16xi32>
      %shift_right_logical3A_195 = arith.constant 3 : i32
      %shift_right_logical3A_196 = vector.broadcast %shift_right_logical3A_195 : i32 to vector<16xi32>
      %shift_right_logical3A_197 = arith.shrui %add3A_194, %shift_right_logical3A_196 : vector<16xi32>
      %iota3A_198 = tpu.iota {dimensions = array<i32: 0>} : vector<16xi32>
      %add3A_199 = arith.constant 48 : i32
      %add3A_200 = vector.broadcast %add3A_199 : i32 to vector<16xi32>
      %add3A_201 = arith.addi %iota3A_198, %add3A_200 : vector<16xi32>
      %shift_right_logical3A_202 = arith.constant 3 : i32
      %shift_right_logical3A_203 = vector.broadcast %shift_right_logical3A_202 : i32 to vector<16xi32>
      %shift_right_logical3A_204 = arith.shrui %add3A_201, %shift_right_logical3A_203 : vector<16xi32>
      %iota3A_205 = tpu.iota {dimensions = array<i32: 0>} : vector<16xi32>
      %add3A_206 = arith.constant 0 : i32
      %add3A_207 = vector.broadcast %add3A_206 : i32 to vector<16xi32>
      %add3A_208 = arith.addi %iota3A_205, %add3A_207 : vector<16xi32>
      %and3A_209 = arith.constant 7 : i32
      %and3A_210 = vector.broadcast %and3A_209 : i32 to vector<16xi32>
      %and3A_211 = arith.andi %add3A_208, %and3A_210 : vector<16xi32>
      %iota3A_212 = tpu.iota {dimensions = array<i32: 0>} : vector<16xi32>
      %add3A_213 = arith.constant 16 : i32
      %add3A_214 = vector.broadcast %add3A_213 : i32 to vector<16xi32>
      %add3A_215 = arith.addi %iota3A_212, %add3A_214 : vector<16xi32>
      %and3A_216 = arith.constant 7 : i32
      %and3A_217 = vector.broadcast %and3A_216 : i32 to vector<16xi32>
      %and3A_218 = arith.andi %add3A_215, %and3A_217 : vector<16xi32>
      %iota3A_219 = tpu.iota {dimensions = array<i32: 0>} : vector<16xi32>
      %add3A_220 = arith.constant 32 : i32
      %add3A_221 = vector.broadcast %add3A_220 : i32 to vector<16xi32>
      %add3A_222 = arith.addi %iota3A_219, %add3A_221 : vector<16xi32>
      %and3A_223 = arith.constant 7 : i32
      %and3A_224 = vector.broadcast %and3A_223 : i32 to vector<16xi32>
      %and3A_225 = arith.andi %add3A_222, %and3A_224 : vector<16xi32>
      %iota3A_226 = tpu.iota {dimensions = array<i32: 0>} : vector<16xi32>
      %add3A_227 = arith.constant 48 : i32
      %add3A_228 = vector.broadcast %add3A_227 : i32 to vector<16xi32>
      %add3A_229 = arith.addi %iota3A_226, %add3A_228 : vector<16xi32>
      %and3A_230 = arith.constant 7 : i32
      %and3A_231 = vector.broadcast %and3A_230 : i32 to vector<16xi32>
      %and3A_232 = arith.andi %add3A_229, %and3A_231 : vector<16xi32>
      %parallel_loop3A_233 = arith.constant 0 : i32
      %parallel_loop3A_234 = arith.constant 128 : i32
      %parallel_loop3A_235 = arith.constant 1 : i32
      scf.for %parallel_loop3A_261 = %parallel_loop3A_233 to %parallel_loop3A_234 step %parallel_loop3A_235  : i32 {
        %parallel_loop3A_262 = vector.broadcast %parallel_loop3A_261 : i32 to vector<16xi32>
        %parallel_loop3A_263 = arith.index_cast %parallel_loop3A_261 : i32 to index
        %parallel_loop3A_264 = arith.constant 0 : index
        %parallel_loop3A_265 = tpu.vector_load %arg7[%parallel_loop3A_263, %parallel_loop3A_264] {strides = array<i32>} : memref<128x64xf32, #tpu.memory_space<vmem>>, vector<16xf32>,
        tpu.vector_store_idx %arg9[%shift_right_logical3A_183, %and3A_211, %parallel_loop3A_262], %parallel_loop3A_265 : memref<8x8x133xf32, #tpu.memory_space<vmem>>[vector<16xi32>, vector<16xi32>, vector<16xi32>], vector<16xf32>,
        %parallel_loop3A_266 = arith.index_cast %parallel_loop3A_261 : i32 to index
        %parallel_loop3A_267 = arith.constant 16 : index
        %parallel_loop3A_268 = tpu.vector_load %arg7[%parallel_loop3A_266, %parallel_loop3A_267] {strides = array<i32>} : memref<128x64xf32, #tpu.memory_space<vmem>>, vector<16xf32>,
        tpu.vector_store_idx %arg9[%shift_right_logical3A_190, %and3A_218, %parallel_loop3A_262], %parallel_loop3A_268 : memref<8x8x133xf32, #tpu.memory_space<vmem>>[vector<16xi32>, vector<16xi32>, vector<16xi32>], vector<16xf32>,
        %parallel_loop3A_269 = arith.index_cast %parallel_loop3A_261 : i32 to index
        %parallel_loop3A_270 = arith.constant 32 : index
        %parallel_loop3A_271 = tpu.vector_load %arg7[%parallel_loop3A_269, %parallel_loop3A_270] {strides = array<i32>} : memref<128x64xf32, #tpu.memory_space<vmem>>, vector<16xf32>,
        tpu.vector_store_idx %arg9[%shift_right_logical3A_197, %and3A_225, %parallel_loop3A_262], %parallel_loop3A_271 : memref<8x8x133xf32, #tpu.memory_space<vmem>>[vector<16xi32>, vector<16xi32>, vector<16xi32>], vector<16xf32>,
        %parallel_loop3A_272 = arith.index_cast %parallel_loop3A_261 : i32 to index
        %parallel_loop3A_273 = arith.constant 48 : index
        %parallel_loop3A_274 = tpu.vector_load %arg7[%parallel_loop3A_272, %parallel_loop3A_273] {strides = array<i32>} : memref<128x64xf32, #tpu.memory_space<vmem>>, vector<16xf32>,
        tpu.vector_store_idx %arg9[%shift_right_logical3A_204, %and3A_232, %parallel_loop3A_262], %parallel_loop3A_274 : memref<8x8x133xf32, #tpu.memory_space<vmem>>[vector<16xi32>, vector<16xi32>, vector<16xi32>], vector<16xf32>,
      } {sc.loop_unroll_factor = 4 : i64, sc.parallel_access}
      %dma_start3A_236 = arith.constant 0 : i32
      %dma_start3A_237 = arith.constant 0 : i32
      %dma_start3A_238 = arith.constant 0 : i32
      %dma_start3A_239 = tpu.memref_slice %arg9[%dma_start3A_236, %dma_start3A_237, %dma_start3A_238] : memref<8x8x133xf32, #tpu.memory_space<vmem>> -> memref<8x8x128xf32, #tpu.memory_space<vmem>>
      %dma_start3A_240 = arith.constant 0 : i32
      %dma_start3A_241 = arith.constant 0 : i32
      %dma_start3A_242 = arith.constant 0 : i32
      %dma_start3A_243 = tpu.memref_slice %arg4[%add3A_161, %dma_start3A_240, %add3A, %dma_start3A_241, %dma_start3A_242] : memref<200x8x32x8x128xf32, #tpu.memory_space<hbm>> -> memref<1x8x1x8x128xf32, #tpu.memory_space<hbm>>
      %dma_start3A_244 = tpu.memref_squeeze %dma_start3A_243 : memref<1x8x1x8x128xf32, #tpu.memory_space<hbm>> -> memref<8x8x128xf32, #tpu.memory_space<hbm>>
      %dma_start3A_245 = arith.constant 0 : i32
      %dma_start3A_246 = arith.constant 0 : i32
      %dma_start3A_247 = arith.constant 0 : i32
      %dma_start3A_248 = tpu.memref_slice %arg4[%add3A_161, %dma_start3A_245, %add3A, %dma_start3A_246, %dma_start3A_247] : memref<200x8x32x8x128xf32, #tpu.memory_space<hbm>> -> memref<1x8x1x8x128xf32, #tpu.memory_space<hbm>>
      %dma_start3A_249 = tpu.memref_squeeze %dma_start3A_248 : memref<1x8x1x8x128xf32, #tpu.memory_space<hbm>> -> memref<8x8x128xf32, #tpu.memory_space<hbm>>
      %dma_start3A_250 = arith.constant 0 : i32
      %dma_start3A_251 = arith.constant 0 : i32
      %dma_start3A_252 = arith.constant 0 : i32
      %dma_start3A_253 = tpu.memref_slice %arg9[%dma_start3A_250, %dma_start3A_251, %dma_start3A_252] : memref<8x8x133xf32, #tpu.memory_space<vmem>> -> memref<8x8x128xf32, #tpu.memory_space<vmem>>
      tpu.enqueue_dma source(%dma_start3A_253 : memref<8x8x128xf32, #tpu.memory_space<vmem>>) target(%dma_start3A_249 : memref<8x8x128xf32, #tpu.memory_space<hbm>>) target_semaphore(%arg13 : memref<!tpu.dma_semaphore, #tpu.memory_space<semaphore_mem>>)
      %add3A_254 = arith.constant 2 : i32
      %add3A_255 = arith.addi %add3A_161, %add3A_254 : i32
      %lt3A_256 = arith.constant 200 : i32
      %lt3A_257 = arith.cmpi slt, %add3A_255, %lt3A_256 : i32
      %convert_element_type3A_258 = arith.extui %lt3A_257 : i1 to i32
      %cond3A_259 = arith.constant 0 : i32
      %cond3A_260 = arith.cmpi ne, %convert_element_type3A_258, %cond3A_259 : i32
      scf.if %cond3A_260 {
        %add3A_261 = arith.constant 2 : i32
        %add3A_262 = arith.addi %add3A_161, %add3A_261 : i32
        %div3A_263 = arith.constant 8 : i32
        %div3A_264 = arith.divsi %add3A_262, %div3A_263 : i32
        %rem3A_265 = arith.constant 8 : i32
        %rem3A_266 = arith.remsi %add3A_262, %rem3A_265 : i32
        %dma_start3A_267 = arith.constant 0 : i32
        %dma_start3A_268 = tpu.memref_slice %arg5[%div3A_264, %rem3A_266, %dma_start3A_267] : memref<25x8x128xi32, #tpu.memory_space<vmem>> -> memref<1x1x128xi32, #tpu.memory_space<vmem>>
        %dma_start3A_269 = tpu.memref_squeeze %dma_start3A_268 : memref<1x1x128xi32, #tpu.memory_space<vmem>> -> memref<128xi32, #tpu.memory_space<vmem>>
        %dma_start3A_270 = arith.constant 0 : i32
        %dma_start3A_271 = arith.constant 0 : i32
        %dma_start3A_272 = tpu.memref_slice %arg3[%dma_start3A_270, %dma_start3A_271] : memref<1001472x64xf32, #tpu.memory_space<hbm>> -> memref<1001472x64xf32, #tpu.memory_space<hbm>>
        tpu.enqueue_indirect_dma source(%dma_start3A_272 : memref<1001472x64xf32, #tpu.memory_space<hbm>>) target(%arg7 : memref<128x64xf32, #tpu.memory_space<vmem>>) offsets(%dma_start3A_269 : memref<128xi32, #tpu.memory_space<vmem>>) semaphore(%arg11 : memref<!tpu.dma_semaphore, #tpu.memory_space<semaphore_mem>>)
      } else {
      }
    }
    %scan3A_26 = arith.constant 100 : i32
    %dma_wait3A = arith.constant 0 : i32
    %dma_wait3A_27 = arith.constant 0 : i32
    %dma_wait3A_28 = arith.constant 0 : i32
    %dma_wait3A_29 = arith.constant 0 : i32
    %dma_wait3A_30 = tpu.memref_slice %arg8[%dma_wait3A_27, %dma_wait3A_28, %dma_wait3A_29] : memref<8x8x133xf32, #tpu.memory_space<vmem>> -> memref<8x8x128xf32, #tpu.memory_space<vmem>>
    %dma_wait3A_31 = arith.constant 0 : i32
    %dma_wait3A_32 = arith.constant 0 : i32
    %dma_wait3A_33 = arith.constant 0 : i32
    %dma_wait3A_34 = tpu.memref_slice %arg4[%dma_wait3A, %dma_wait3A_31, %add3A, %dma_wait3A_32, %dma_wait3A_33] : memref<200x8x32x8x128xf32, #tpu.memory_space<hbm>> -> memref<1x8x1x8x128xf32, #tpu.memory_space<hbm>>
    %dma_wait3A_35 = tpu.memref_squeeze %dma_wait3A_34 : memref<1x8x1x8x128xf32, #tpu.memory_space<hbm>> -> memref<8x8x128xf32, #tpu.memory_space<hbm>>
    %dma_wait3A_36 = arith.constant 0 : i32
    %dma_wait3A_37 = arith.constant 0 : i32
    %dma_wait3A_38 = arith.constant 0 : i32
    %dma_wait3A_39 = tpu.memref_slice %arg4[%dma_wait3A, %dma_wait3A_36, %add3A, %dma_wait3A_37, %dma_wait3A_38] : memref<200x8x32x8x128xf32, #tpu.memory_space<hbm>> -> memref<1x8x1x8x128xf32, #tpu.memory_space<hbm>>
    %dma_wait3A_40 = tpu.memref_squeeze %dma_wait3A_39 : memref<1x8x1x8x128xf32, #tpu.memory_space<hbm>> -> memref<8x8x128xf32, #tpu.memory_space<hbm>>
    %dma_wait3A_41 = arith.constant 0 : i32
    %dma_wait3A_42 = arith.constant 0 : i32
    %dma_wait3A_43 = arith.constant 0 : i32
    %dma_wait3A_44 = tpu.memref_slice %arg8[%dma_wait3A_41, %dma_wait3A_42, %dma_wait3A_43] : memref<8x8x133xf32, #tpu.memory_space<vmem>> -> memref<8x8x128xf32, #tpu.memory_space<vmem>>
    tpu.wait_dma2 semaphore(%arg12 : memref<!tpu.dma_semaphore, #tpu.memory_space<semaphore_mem>>) src(%dma_wait3A_44 : memref<8x8x128xf32, #tpu.memory_space<vmem>>) dst(%dma_wait3A_40 : memref<8x8x128xf32, #tpu.memory_space<hbm>>)
    %dma_wait3A_45 = arith.constant 0 : i32
    %dma_wait3A_46 = arith.constant 0 : i32
    %dma_wait3A_47 = arith.constant 0 : i32
    %dma_wait3A_48 = arith.constant 0 : i32
    %dma_wait3A_49 = tpu.memref_slice %arg9[%dma_wait3A_46, %dma_wait3A_47, %dma_wait3A_48] : memref<8x8x133xf32, #tpu.memory_space<vmem>> -> memref<8x8x128xf32, #tpu.memory_space<vmem>>
    %dma_wait3A_50 = arith.constant 0 : i32
    %dma_wait3A_51 = arith.constant 0 : i32
    %dma_wait3A_52 = arith.constant 0 : i32
    %dma_wait3A_53 = tpu.memref_slice %arg4[%dma_wait3A_45, %dma_wait3A_50, %add3A, %dma_wait3A_51, %dma_wait3A_52] : memref<200x8x32x8x128xf32, #tpu.memory_space<hbm>> -> memref<1x8x1x8x128xf32, #tpu.memory_space<hbm>>
    %dma_wait3A_54 = tpu.memref_squeeze %dma_wait3A_53 : memref<1x8x1x8x128xf32, #tpu.memory_space<hbm>> -> memref<8x8x128xf32, #tpu.memory_space<hbm>>
    %dma_wait3A_55 = arith.constant 0 : i32
    %dma_wait3A_56 = arith.constant 0 : i32
    %dma_wait3A_57 = arith.constant 0 : i32
    %dma_wait3A_58 = tpu.memref_slice %arg4[%dma_wait3A_45, %dma_wait3A_55, %add3A, %dma_wait3A_56, %dma_wait3A_57] : memref<200x8x32x8x128xf32, #tpu.memory_space<hbm>> -> memref<1x8x1x8x128xf32, #tpu.memory_space<hbm>>
    %dma_wait3A_59 = tpu.memref_squeeze %dma_wait3A_58 : memref<1x8x1x8x128xf32, #tpu.memory_space<hbm>> -> memref<8x8x128xf32, #tpu.memory_space<hbm>>
    %dma_wait3A_60 = arith.constant 0 : i32
    %dma_wait3A_61 = arith.constant 0 : i32
    %dma_wait3A_62 = arith.constant 0 : i32
    %dma_wait3A_63 = tpu.memref_slice %arg9[%dma_wait3A_60, %dma_wait3A_61, %dma_wait3A_62] : memref<8x8x133xf32, #tpu.memory_space<vmem>> -> memref<8x8x128xf32, #tpu.memory_space<vmem>>
    tpu.wait_dma2 semaphore(%arg13 : memref<!tpu.dma_semaphore, #tpu.memory_space<semaphore_mem>>) src(%dma_wait3A_63 : memref<8x8x128xf32, #tpu.memory_space<vmem>>) dst(%dma_wait3A_59 : memref<8x8x128xf32, #tpu.memory_space<hbm>>)
    return
  }
}

module attributes {stable_mosaic.version = 14 : i64} {
  func.func @k(%arg0: i32, %arg1: memref<64x2048xf32, #tpu.memory_space<vmem>>, %arg2: memref<1024x128xf32, #tpu.memory_space<vmem>>) attributes {dimension_semantics = [#tpu.dimension_semantics<arbitrary>], iteration_bounds = array<i64: 489>, scalar_prefetch = 0 : i64, scratch_operands = 0 : i64, tpu.core_type = #tpu.core_type<tc>, window_params = [{transform_indices = @transform_0, window_bounds = array<i64: 64, 2048>}, {transform_indices = @transform_1, window_bounds = array<i64: 1024, 128>}]} {
    %get3A = arith.constant 0 : index
    %get3A_0 = arith.constant 0 : index
    %get3A_1 = vector.load %arg1[%get3A, %get3A_0] : memref<64x2048xf32, #tpu.memory_space<vmem>>, vector<64x2048xf32>
    %transpose3A = tpu.transpose %get3A_1, [1, 0] : vector<64x2048xf32> -> vector<2048x64xf32>
    %reshape3A = vector.shape_cast %transpose3A : vector<2048x64xf32> to vector<1024x2x64xf32>
    %slice3A = vector.extract_strided_slice %reshape3A {offsets = [0, 0, 0], sizes = [1024, 1, 64], strides = [1, 1, 1]} : vector<1024x2x64xf32> to vector<1024x1x64xf32>
    %squeeze3A = vector.shape_cast %slice3A : vector<1024x1x64xf32> to vector<1024x64xf32>
    %slice3A_2 = vector.extract_strided_slice %reshape3A {offsets = [0, 1, 0], sizes = [1024, 1, 64], strides = [1, 1, 1]} : vector<1024x2x64xf32> to vector<1024x1x64xf32>
    %squeeze3A_3 = vector.shape_cast %slice3A_2 : vector<1024x1x64xf32> to vector<1024x64xf32>
    %concatenate3A = tpu.concatenate %squeeze3A, %squeeze3A_3 in 1 : vector<1024x64xf32>, vector<1024x64xf32> -> vector<1024x128xf32>
    %swap3A = arith.constant 0 : index
    %swap3A_4 = arith.constant 0 : index
    %swap3A_5 = vector.load %arg2[%swap3A, %swap3A_4] : memref<1024x128xf32, #tpu.memory_space<vmem>>, vector<1024x128xf32>
    tpu.vector_store %arg2[%swap3A, %swap3A_4], %concatenate3A {strides = array<i32>} : memref<1024x128xf32, #tpu.memory_space<vmem>>, vector<1024x128xf32>,
    return
  }
  func.func @transform_0(%arg0: i32) -> (i32, i32) {
    %c0_i32 = arith.constant 0 : i32
    %c0_i32_0 = arith.constant 0 : i32
    return %c0_i32, %arg0 : i32, i32
  }
  func.func @transform_1(%arg0: i32) -> (i32, i32) {
    %c0_i32 = arith.constant 0 : i32
    %c0_i32_0 = arith.constant 0 : i32
    return %arg0, %c0_i32 : i32, i32
  }
}

</mosaic_0001>

<sc_bundles>
// kernel: kernel.4.cloned.1.call-start
scs
__scs_entry_jumppad:
0x0: {  	(pc) =	sbr.rel $0x88, $3  }
0x1: {  	(tag) =	ssettag $0x0;
	lr =	simm.s32 $0x1  }
0x2: {  	[smem:$0x3F9F] =	sst lr;
	_ =	strace $0xD0000000  }
0x3: {  	_ = 	snop  }
0x4: {  	_ = 	snop  }
0x5: {  	_ = 	snop  }
0x6: {  	_ = 	snop  }
0x7: {  	_ = 	snop  }
__scs_overlays_trampoline_lowered:
0x8: {  	[smem:$0x3FAE] =	sst s0  }
0x9: {  	[smem:$0x3FAF] =	sst s1  }
0xa: {  	[smem:$0x3FB0] =	sst s2  }
0xb: {  	[smem:$0x3FB1] =	sst s3  }
0xc: {  	[smem:$0x3FB2] =	sst s4  }
0xd: {  	[smem:$0x3FB3] =	sst s5  }
0xe: {  	[smem:$0x3FB4] =	sst s6  }
0xf: {  	[smem:$0x3FB5] =	sst s7  }
0x10: {  	[smem:$0x3FB6] =	sst s8  }
0x11: {  	[smem:$0x3FB7] =	sst s9;
	s0 =	simm.s32 @!p0 $0x0  }
0x12: {  	s1 =	sld [smem:$0x3F9D];
	s0 =	simm.s32 @p0 $0x1  }
0x13: {  	[smem:$0x3FB8] =	sst s0;
	s0 =	simm.s32 @!p1 $0x0  }
0x14: {  	s2 =	sld [smem:$0x3F9C];
	s0 =	simm.s32 @p1 $0x1  }
0x15: {  	[smem:$0x3FB9] =	sst s0;
	s0 =	simm.s32 @!p2 $0x0  }
0x16: {  	s3 =	sld [smem:$0x3FDB];
	s0 =	simm.s32 @p2 $0x1  }
0x17: {  	s4 =	simm.s32 $0x1BF5;
	[smem:$0x3FBB] =	sst s0  }
0x18: {  	s0 =	sld [smem:$0x3F9E];
	_ =	swait.ge [sflag:s4], $0x0  }
0x19: {  	s7 =	sld [smem:$0x3F9F]  }
0x1a: {  	s8 =	sadd.s32 $0xFFFFE003, lr  }
0x1b: {  	s9 =	sadd.s32 $0xFFFFFEF7, lr;
	s5 =	simm.s32 $0xFFFFFFFF;
	p2 =	slt.u32 s8, $0xFFFFF086  }
0x1c: {  	p1 =	slt.u32 s9, $0xF7A;
	s5 =	simm.s32 @!p2 $0x0  }
0x1d: {  	s5 =	simm.s32 @p1 $0x1;
	p0 =	seq.s32 s7, s2  }
0x1e: {  	s7 =	smul.u32 @!p0 $0xF7A, s2;
	p2 =	seq.s32 @!p0 s5, $0x0  }
0x1f: {  	s9 =	smul.u32 $0xF7A, s1;
	s8 =	simm.s32 @!p0 $0x1BF5;
	p2 =	por !p2, p0  }
0x20: {  	[sflag:s8] =	ssyncset.s32 @!p0 $0xFFFFF086;
	s6 =	sadd.s32 @!p0 s3, s7;
	s7 =	simm.s32 @!p0 $0x108  }
0x21: {  	s3 =	sadd.s32 s3, s9;
	s6 =	sadd.s32 @!p0 $0x88, s6;
	s7 =	simm.s32 @p2 $0x1082  }
0x22: {  	[simem:s7], [sflag:s8] =	dma.local @!p0 [hbm:s6], $0xF7A  }
0x23: {  	s9 =	sor.u32 $0xD0000000, s2;
	s6 =	simm.s32 $0x108;
	_ =	swait.ge @!p0 [sflag:s8], $0x0  }
0x24: {  	s3 =	sadd.s32 $0x88, s3;
	s6 =	simm.s32 @!p1 $0x1082;
	[sflag:s4] =	ssyncset.s32 $0xFFFFF086  }
0x25: {  	[simem:s6], [sflag:s4] =	dma.local [hbm:s3], $0xF7A  }
0x26: {  	[smem:$0x3F9F] =	sst s1;
	(tag) =	ssettag s2;
	_ =	strace s9  }
0x27: {  	s1 =	sld [smem:$0x3FAF]  }
0x28: {  	s2 =	sld [smem:$0x3FB0]  }
0x29: {  	s4 =	sld [smem:$0x3FB2]  }
0x2a: {  	p0 =	seq.s32 s5, $0x0;
	s5 =	sld [smem:$0x3FB3]  }
0x2b: {  	s6 =	sld [smem:$0x3FB4]  }
0x2c: {  	s7 =	sld [smem:$0x3FB5]  }
0x2d: {  	s3 =	simm.s32 $0x108;
	s8 =	sld [smem:$0x3FB6]  }
0x2e: {  	s3 =	simm.s32 @!p0 $0x1082;
	s9 =	sld [smem:$0x3FB7]  }
0x2f: {  	lr =	sadd.s32 s0, s3;
	s0 =	sld [smem:$0x3FAE]  }
0x30: {  	s3 =	sld [smem:$0x3FB1]  }
0x31: {  	[smem:$0x3FBA] =	sst s10  }
0x32: {  	s10 =	sld [smem:$0x3FB8];
	_ =	sdelay $0x3  }
0x33: {  	p0 =	seq.s32 s10, $0x1;
	s10 =	sld [smem:$0x3FBA];
	_ =	sdelay $0x3  }
0x34: {  	[smem:$0x3FBA] =	sst s10  }
0x35: {  	s10 =	sld [smem:$0x3FB9];
	_ =	sdelay $0x3  }
0x36: {  	p1 =	seq.s32 s10, $0x1;
	s10 =	sld [smem:$0x3FBA];
	_ =	sdelay $0x3  }
0x37: {  	[smem:$0x3FBA] =	sst s10  }
0x38: {  	s10 =	sld [smem:$0x3FBB]  }
0x39: {  	_ = 	snop;
	(pc) =	sbr.ind lr, $3  }
0x3a: {  	_ = 	snop  }
0x3b: {  	_ = 	snop  }
0x3c: {  	p2 =	seq.s32 s10, $0x1;
	s10 =	sld [smem:$0x3FBA]  }
0x3d: {  	_ =	shalt  }
0x3e: {  	_ =	shalt  }
0x3f: {  	_ =	shalt  }
0x40: {  	_ =	shalt  }
0x41: {  	_ =	shalt  }
0x42: {  	_ =	shalt  }
0x43: {  	_ =	shalt  }
0x44: {  	_ =	shalt  }
0x45: {  	_ =	shalt  }
0x46: {  	_ =	shalt  }
0x47: {  	_ =	shalt  }
0x48: {  	_ =	shalt  }
0x49: {  	_ =	shalt  }
0x4a: {  	_ =	shalt  }
0x4b: {  	_ =	shalt  }
0x4c: {  	_ =	shalt  }
0x4d: {  	_ =	shalt  }
0x4e: {  	_ =	shalt  }
0x4f: {  	_ =	shalt  }
0x50: {  	_ =	shalt  }
0x51: {  	_ =	shalt  }
0x52: {  	_ =	shalt  }
0x53: {  	_ =	shalt  }
0x54: {  	_ =	shalt  }
0x55: {  	_ =	shalt  }
0x56: {  	_ =	shalt  }
0x57: {  	_ =	shalt  }
0x58: {  	_ =	shalt  }
0x59: {  	_ =	shalt  }
0x5a: {  	_ =	shalt  }
0x5b: {  	_ =	shalt  }
0x5c: {  	_ =	shalt  }
0x5d: {  	_ =	shalt  }
0x5e: {  	_ =	shalt  }
0x5f: {  	_ =	shalt  }
0x60: {  	_ =	shalt  }
0x61: {  	_ =	shalt  }
0x62: {  	_ =	shalt  }
0x63: {  	_ =	shalt  }
0x64: {  	_ =	shalt  }
0x65: {  	_ =	shalt  }
0x66: {  	_ =	shalt  }
0x67: {  	_ =	shalt  }
0x68: {  	_ =	shalt  }
0x69: {  	_ =	shalt  }
0x6a: {  	_ =	shalt  }
0x6b: {  	_ =	shalt  }
0x6c: {  	_ =	shalt  }
0x6d: {  	_ =	shalt  }
0x6e: {  	_ =	shalt  }
0x6f: {  	_ =	shalt  }
0x70: {  	_ =	shalt  }
0x71: {  	_ =	shalt  }
0x72: {  	_ =	shalt  }
0x73: {  	_ =	shalt  }
0x74: {  	_ =	shalt  }
0x75: {  	_ =	shalt  }
0x76: {  	_ =	shalt  }
0x77: {  	_ =	shalt  }
0x78: {  	_ =	shalt  }
0x79: {  	_ =	shalt  }
0x7a: {  	_ =	shalt  }
0x7b: {  	_ =	shalt  }
0x7c: {  	_ =	shalt  }
0x7d: {  	_ =	shalt  }
0x7e: {  	_ =	shalt  }
0x7f: {  	_ =	shalt  }
0x80: {  	_ =	shalt  }
0x81: {  	_ =	shalt  }
0x82: {  	_ =	shalt  }
0x83: {  	_ =	shalt  }
0x84: {  	_ =	shalt  }
0x85: {  	_ =	shalt  }
0x86: {  	_ =	shalt  }
0x87: {  	_ =	shalt  }
.Lfunc_end0:
.L_simem_size_0:
called_computation_lowered:
.L_overlay_start_0:
0x88: {  	s2 =	sld [smem:$0x3FD9]  }
0x89: {  	s3 =	sld [smem:$0x3FFE];
	_ =	sdelay $0x1  }
0x8a: {  	s1 =	srdreg.scid  }
0x8b: {  	s0 =	sand.u32 $0x1, s1  }
0x8c: {  	s17 =	sshll.u32 s0, $0xA;
	s2 =	sadd.s32 s3, s2  }
0x8d: {  	s2 =	sadd.s32 s2, s17  }
0x8e: {  	[smem:$0x3FC6] =	sst s2  }
0x8f: {  	_ = 	snop  }
0x90: {  	s2 =	sld [smem:$0x3FC9]  }
0x91: {  	s18 =	sld [smem:$0x3FD0];
	(tm) =	ssettm $0x1  }
0x92: {  	s4 =	sld [smem:$0x3FFB];
	_ =	sdelay $0x3  }
0x93: {  	_ =	strace s4  }
0x94: {  	s4 =	sld [smem:$0x3FFC];
	_ =	sdelay $0x3  }
0x95: {  	_ =	strace s4  }
0x96: {  	s4 =	sld [smem:$0x3FFD];
	_ =	sdelay $0x3  }
0x97: {  	_ =	strace s4  }
0x98: {  	_ =	strace $0x8FFFFFFF  }
0x99: {  	s19 =	sld [smem:$0x3FDB];
	_ =	sdelay $0x1  }
0x9a: {  	s5 =	simm.s32 $_scs_section_size  }
0x9b: {  	s6 =	simm.s32 $_size__tile_overlayer_lowered;
	s7 =	simm.s32 $_tile_overlayer_lowered  }
0x9c: {  	s22 =	simm.s32 $0x1BFF;
	s21 =	sshll.u32 s7, $0x1;
	s4 =	sadd.s32 s5, s19  }
0x9d: {  	s8 =	simm.s32 $0x0;
	s20 =	sshll.u32 s6, $0x1;
	s6 =	sadd.s32 s21, s4  }
0x9e: {  	[timem:s8], [sflag:s22] =	dma.local [hbm:s6], s20  }
0x9f: {  	_ =	swait.ge [sflag:s22], s20  }
0xa0: {  	s5 =	ssub.s32 $0x0, s20;
	[sflag:s22] =	ssyncset.done $0x0  }
0xa1: {  	[sflag:s22] =	ssyncadd.s32 s5;
	_ =	sdelay $0x1  }
0xa2: {  	s23 =	simm.s32 $0x1B8B  }
0xa3: {  	_ =	swait.ge [sflag:s23], $0x1  }
0xa4: {  	[sflag:s23] =	ssyncset.done $0x0  }
0xa5: {  	s25 =	simm.s32 $0x1B8E;
	s24 =	sld [smem:$0x3FFE];
	[sflag:s23] =	ssyncadd.s32 $0xFFFFFFFF  }
0xa6: {  	s26 =	simm.s32 $execute0_lowered;
	[smem:$0x3FD2] =	sst s25  }
0xa7: {  	s6 =	sshll.u32 s26, $0x1;
	_ =	strace $0x80000046;
	[dreg:$0x1] =	wrdreg $0xFFFFFFFF  }
0xa8: {  	s28 =	simm.s32 $_size_execute0_lowered;
	s4 =	sadd.s32 s4, s6;
	[dreg:$0x0] =	wrdreg $0x0  }
0xa9: {  	s6 =	sshll.u32 s28, $0x1;
	[dreg:$0x2] =	wrdreg s4  }
0xaa: {  	[dreg:$0x3] =	wrdreg s6  }
0xab: {  	[dreg:$0x4] =	wrdreg $0xC0  }
0xac: {  	_ =	task [dreg:s8], $0x5FFFF  }
0xad: {  	[dreg:$0x1] =	wrdreg $0xFFFFFFFF  }
0xae: {  	[dreg:$0x0] =	wrdreg $0x60  }
0xaf: {  	[dreg:$0x2] =	wrdreg s2  }
0xb0: {  	[dreg:$0x3] =	wrdreg s24  }
0xb1: {  	[dreg:$0x4] =	wrdreg s18  }
0xb2: {  	[dreg:$0x5] =	wrdreg $0x9  }
0xb3: {  	_ =	task.clear_ibuf [dreg:s8], $0x6FFFF;
	_ =	strace $0x90000046  }
0xb4: {  	s29 =	simm.s32 $0x9;
	_ =	strace $0x80000048  }
0xb5: {  	_ =	swait.ge [sflag:s29], $0x1  }
0xb6: {  	[sflag:s29] =	ssyncadd.s32 $0xFFFFFFFF  }
0xb7: {  	_ =	strace $0x90000048  }
0xb8: {  	_ =	sfence  }
0xb9: {  	s30 =	sld [smem:$0x0];
	_ =	sdelay $0x2  }
0xba: {  	s31 =	sshll.u32 s1, $0xD;
	s1 =	sshrl.u32 s1, $0x2  }
0xbb: {  	s3 =	sand.u32 $0x4000, s31;
	s1 =	sadd.s32 s1, s30  }
0xbc: {  	s0 =	sor.u32 s3, s0;
	s1 =	sshll.u32 s1, $0x11  }
0xbd: {  	s0 =	sor.u32 s1, s0  }
0xbe: {  	s0 =	sadd.s32 $0x8F2B, s0  }
0xbf: {  	[sflag:s0] =	ssyncadd.remote.s32 $0x1  }
0xc0: {  	_ =	sfence.sel $0xFFFF  }
0xc1: {  	[dreg:$0x0] =	wrdreg $0xFFFFFFFF;
	(pc) =	sbr.abs _section_cstart, $3  }
0xc2: {  	[dreg:$0x1] =	wrdreg $0xFFFFFFFF  }
0xc3: {  	_ =	task.clear_ibuf [dreg:s8], $0x2FFFF;
	_ =	strace $0x9FFFFFFF  }
0xc4: {  	(tm) =	ssettm $0x7FFFFFFF  }
0xc5: {  	_ =	shalt  }
tec
execute0_lowered:
.L_overlay_start_1:
0x0: {  	(tag) =	ssettag $0x1  }
0x1: {  	s6 =	rddreg [dreg:$0x0]  }
0x2: {  	s5 =	rddreg [dreg:$0x1]  }
0x3: {  	s2 =	rddreg [dreg:$0x2]  }
0x4: {  	s3 =	srdreg.scid;
	s0 =	rddreg [dreg:$0x3]  }
0x5: {  	s1 =	stileid.u32;
	s10 =	simm.s32 $0x8000;
	s11 =	simm.s32 $0x5  }
0x6: {  	s12 =	simm.s32 $0x80;
	s13 =	simm.s32 $0x6400;
	s14 =	simm.s32 $0x8400  }
0x7: {  	s15 =	simm.s32 $0x1;
	s16 =	simm.s32 $0xA400;
	s17 =	simm.s32 $0x2  }
0x8: {  	s18 =	simm.s32 $0x4;
	s19 =	simm.s32 $0xC600;
	s20 =	simm.s32 $0x3  }
0x9: {  	s21 =	simm.s32 $0x0;
	s4 =	sand.u32 $0x1, s3;
	s3 =	simm.s32 $0x0  }
.Ltmp0:
0xa: {  	s7 =	sshll.u32 s1, $0xB;
	s5 =	sadd.s32 $0x400, s5;
	(pc) =	sbr.rel .LBB2_1-.Ltmp0, $4  }
0xb: {  	v0 =	vlaneseq.u32;
	s8 =	sshll.u32 s4, $0xA;
	[smem:$0x7FF] =	sst s3;
	s9 =	ssub.s32 $0x2, s4  }
0xc: {  	v0 =	vmul.u32 $0x88, v0;
	s4 =	sor.u32 s8, s7;
	_ =	strace $0x80000047;
	s31 =	sshrl.u32 s9, $0x1  }
0xd: {  	s7 =	sadd.s32 $0x8000, s2;
	s8 =	sshrl.u32 s4, $0x3;
	s9 =	ssub.s32 s9, s31  }
0xe: {  	v1 =	vadd.s32 $0x880, v0;
	v2 =	vadd.s32 $0x1100, v0;
	v3 =	vadd.s32 $0x1980, v0;
	s6 =	sadd.s32 s6, s8;
	s8 =	smax.u32 s9, $0x1;
	s9 =	simm.s32 $0x400  }
.LBB2_16:
0xf: {  	s21 =	sadd.s32 $0x1, s21  }
0x10: {  	_ =	swait.ge [sflag:s20], $0x2000;
	p0 =	sne.s32 s21, s8  }
.Ltmp1:
0x11: {  	[sflag:s20] =	ssyncset.done $0x0;
	(pc) =	sbr.rel @!p0 .LBB2_17-.Ltmp1, $4  }
0x12: {  	[sflag:s20] =	ssyncadd.s32 $0xFFFFE000  }
0x13: {  	_ =	swait.ge [sflag:s18], $0x2000  }
0x14: {  	[sflag:s18] =	ssyncset.done $0x0  }
0x15: {  	[sflag:s18] =	ssyncadd.s32 $0xFFFFE000  }
.LBB2_1:
0x16: {  	[tilespmem:s3], [sflag:$0x5] =	stream.strided.gather [hbm4b:s6+s9], $0x6400, s10, s9, $0x38;
	[tilespmem:$0xE800] =	vst v63  }
0x17: {  	_ =	swait.ge [sflag:s11], $0x6400  }
0x18: {  	[sflag:s11] =	ssyncset.done $0x0  }
0x19: {  	[sflag:s11] =	ssyncadd.s32 $0xFFFF9C00  }
0x1a: {  	[tilespmem:s13], [sflag:$0x1] =	stream.indirect.gather [hbm4b:s5+s12], $0x40, s3, s12, $0xb8;
	[tilespmem:$0xE800] =	vst v63  }
0x1b: {  	s22 =	simm.s32 $0x0  }
0x1c: {  	[tilespmem:s14], [sflag:$0x2] =	stream.indirect.gather [hbm4b:s5+s12], $0x40, s12, s12, $0xb8;
	[tilespmem:$0xE800] =	vst v63  }
.LBB2_2:
0x1d: {  	_ =	swait.ge [sflag:s15], $0x2000  }
0x1e: {  	p0 =	seq.s32 s22, $0x0;
	[sflag:s15] =	ssyncset.done $0x0  }
0x1f: {  	s23 =	simm.s32 @!p0 $0x3;
	[sflag:s15] =	ssyncadd.s32 $0xFFFFE000  }
0x20: {  	s24 =	simm.s32 $0x3;
	_ =	swait.ge @!p0 [sflag:s23], $0x2000  }
0x21: {  	s26 =	simm.s32 $0x0;
	v4 =	vmov s24;
	[sflag:s23] =	ssyncset.done @!p0 $0x0  }
0x22: {  	s25 =	simm.s32 $0x6480;
	s30 =	simm.s32 $0x1;
	v5 =	vand.u32 $0x7F, v4;
	v4 =	vmov s26;
	[sflag:s23] =	ssyncadd.s32 @!p0 $0xFFFFE000  }
0x23: {  	v8 =	vadd.s32 v0, v5;
	v6 =	vand.u32 $0x7C, v4;
	v4 =	vmov s30;
	v7 =	vld [tilespmem:s25+$0x40]  }
0x24: {  	v10 =	vadd.s32 v0, v6;
	v11 =	vand.u32 $0x7D, v4;
	v9 =	vld [tilespmem:s25+$0xFFFFFF80]  }
0x25: {  	s31 =	simm.s32 $0x2;
	v12 =	vadd.s32 v0, v11;
	v4 =	vld [tilespmem:s25+$0xFFFFFFC0]  }
0x26: {  	v13 =	vmov s31  }
0x27: {  	v13 =	vand.u32 $0x7E, v13  }
0x28: {  	v15 =	vadd.s32 v0, v13;
	v14 =	vld [tilespmem:s25+$0x0];
	[tilespmem:v8+s16+$0x0] =	vst.idx.msk $0xffff, v7  }
0x29: {  	v8 =	vadd.s32 v1, v5;
	[tilespmem:v10+s16+$0x0] =	vst.idx.msk $0xffff, v9;
	v7 =	vld [tilespmem:s25+$0x50]  }
0x2a: {  	v10 =	vadd.s32 v1, v6;
	[tilespmem:v12+s16+$0x0] =	vst.idx.msk $0xffff, v4;
	v9 =	vld [tilespmem:s25+$0xFFFFFF90]  }
0x2b: {  	v12 =	vadd.s32 v1, v11;
	v4 =	vld [tilespmem:s25+$0xFFFFFFD0];
	_ =	sdelay $0x1  }
0x2c: {  	[tilespmem:v15+s16+$0x0] =	vst.idx.msk $0xffff, v14  }
0x2d: {  	v16 =	vadd.s32 v1, v13;
	v15 =	vld [tilespmem:s25+$0x10];
	[tilespmem:v8+s16+$0x0] =	vst.idx.msk $0xffff, v7  }
0x2e: {  	s24 =	simm.s32 $0x7;
	v14 =	vadd.s32 v2, v5;
	[tilespmem:v10+s16+$0x0] =	vst.idx.msk $0xffff, v9;
	v7 =	vld [tilespmem:s25+$0x60]  }
0x2f: {  	v10 =	vadd.s32 v2, v6;
	v8 =	vmov s24;
	[tilespmem:v12+s16+$0x0] =	vst.idx.msk $0xffff, v4;
	v9 =	vld [tilespmem:s25+$0xFFFFFFA0]  }
0x30: {  	v17 =	vadd.s32 v2, v11;
	s24 =	simm.s32 $0x6580;
	v8 =	vand.u32 $0x7F, v8;
	v12 =	vld [tilespmem:s25+$0xFFFFFFE0]  }
0x31: {  	s26 =	simm.s32 $0x4;
	v18 =	vld [tilespmem:s24+$0x40];
	v19 =	vadd.s32 v0, v8  }
0x32: {  	s30 =	simm.s32 $0x5;
	v4 =	vmov s26;
	[tilespmem:v16+s16+$0x0] =	vst.idx.msk $0xffff, v15  }
0x33: {  	v22 =	vmov s30;
	v4 =	vand.u32 $0x7C, v4;
	[tilespmem:v14+s16+$0x0] =	vst.idx.msk $0xffff, v7  }
0x34: {  	s31 =	simm.s32 $0x6;
	v20 =	vld [tilespmem:s24+$0xFFFFFF80];
	v21 =	vadd.s32 v0, v4;
	v7 =	vand.u32 $0x7D, v22;
	[tilespmem:v10+s16+$0x0] =	vst.idx.msk $0xffff, v9  }
0x35: {  	v14 =	vmov s31;
	v9 =	vld [tilespmem:s24+$0xFFFFFFC0];
	[tilespmem:v17+s16+$0x0] =	vst.idx.msk $0xffff, v12;
	v10 =	vadd.s32 v0, v7  }
0x36: {  	v16 =	vadd.s32 v3, v5;
	v12 =	vld [tilespmem:s25+$0x20];
	v5 =	vand.u32 $0x7E, v14;
	[tilespmem:v19+s16+$0x0] =	vst.idx.msk $0xffff, v18;
	v18 =	vadd.s32 v2, v13  }
0x37: {  	v14 =	vld [tilespmem:s24+$0x0];
	v63 =	vadd.s32 v0, v5  }
0x38: {  	v15 =	vld [tilespmem:s25+$0x70]  }
0x39: {  	[tilespmem:v21+s16+$0x0] =	vst.idx.msk $0xffff, v20;
	v20 =	vadd.s32 v1, v8;
	v19 =	vld [tilespmem:s24+$0x50]  }
0x3a: {  	v23 =	vadd.s32 v1, v4;
	v21 =	vld [tilespmem:s24+$0xFFFFFF90];
	[tilespmem:v10+s16+$0x0] =	vst.idx.msk $0xffff, v9  }
0x3b: {  	v25 =	vadd.s32 v3, v11;
	v24 =	vld [tilespmem:s25+$0xFFFFFFF0];
	[tilespmem:v18+s16+$0x0] =	vst.idx.msk $0xffff, v12  }
0x3c: {  	v18 =	vadd.s32 v1, v7;
	v17 =	vld [tilespmem:s24+$0xFFFFFFD0];
	[tilespmem:v63+s16+$0x0] =	vst.idx.msk $0xffff, v14  }
0x3d: {  	[tilespmem:v16+s16+$0x0] =	vst.idx.msk $0xffff, v15;
	v16 =	vadd.s32 v1, v5;
	v14 =	vld [tilespmem:s24+$0x10]  }
0x3e: {  	v15 =	vadd.s32 v3, v13;
	[tilespmem:v20+s16+$0x0] =	vst.idx.msk $0xffff, v19;
	v10 =	vld [tilespmem:s25+$0x30]  }
0x3f: {  	s29 =	simm.s32 $0xB;
	v12 =	vadd.s32 v2, v8;
	[tilespmem:v23+s16+$0x0] =	vst.idx.msk $0xffff, v21;
	v9 =	vld [tilespmem:s24+$0x60]  }
0x40: {  	s28 =	simm.s32 $0xC;
	s23 =	sshll.u32 s22, $0xA;
	s26 =	simm.s32 $0x8;
	v13 =	vadd.s32 v2, v4;
	[tilespmem:v25+s16+$0x0] =	vst.idx.msk $0xffff, v24;
	v11 =	vld [tilespmem:s24+$0xFFFFFFA0]  }
.LBB2_3:
0x41: {  	p1 =	slt.u32 s28, $0x7C;
	v19 =	vmov s29;
	[tilespmem:v18+s16+$0x0] =	vst.idx.msk $0xffff, v17;
	v17 =	vld [tilespmem:s25+$0xFFFFFFB0];
	v18 =	vadd.s32 v3, v6;
	v6 =	vmov v4;
	s25 =	smov.u32 s24  }
0x42: {  	v4 =	vmov s26;
	v21 =	vadd.s32 v2, v7;
	s24 =	sadd.s32 $0x100, s24;
	v19 =	vand.u32 $0x7F, v19;
	v20 =	vld [tilespmem:s25+$0xFFFFFFE0];
	[tilespmem:v16+s16+$0x0] =	vst.idx.msk $0xffff, v14  }
0x43: {  	s29 =	sadd.s32 $0x1, s26;
	v4 =	vand.u32 $0x7C, v4;
	v14 =	vld [tilespmem:s24+$0x40];
	v16 =	vadd.s32 v0, v19;
	[tilespmem:v15+s16+$0x0] =	vst.idx.msk $0xffff, v10  }
0x44: {  	v22 =	vmov s29;
	s29 =	sadd.s32 $0x2, s26;
	s26 =	smov.u32 s28;
	v15 =	vadd.s32 v0, v4;
	v10 =	vld [tilespmem:s24+$0xFFFFFF80];
	[tilespmem:v12+s16+$0x0] =	vst.idx.msk $0xffff, v9  }
0x45: {  	v9 =	vand.u32 $0x7D, v22;
	v12 =	vmov s29;
	[tilespmem:v13+s16+$0x0] =	vst.idx.msk $0xffff, v11;
	v11 =	vld [tilespmem:s25+$0x70];
	v13 =	vadd.s32 v3, v8;
	v8 =	vmovc v19  }
0x46: {  	v22 =	vadd.s32 v0, v9;
	v12 =	vand.u32 $0x7E, v12;
	v19 =	vld [tilespmem:s24+$0xFFFFFFC0];
	[tilespmem:v18+s16+$0x0] =	vst.idx.msk $0xffff, v17  }
0x47: {  	v24 =	vadd.s32 v0, v12;
	v23 =	vld [tilespmem:s24+$0x0];
	[tilespmem:v21+s16+$0x0] =	vst.idx.msk $0xffff, v20  }
0x48: {  	v21 =	vadd.s32 v2, v5;
	[tilespmem:v16+s16+$0x0] =	vst.idx.msk $0xffff, v14;
	v20 =	vld [tilespmem:s25+$0x20]  }
0x49: {  	[tilespmem:v15+s16+$0x0] =	vst.idx.msk $0xffff, v10;
	v10 =	vld [tilespmem:s24+$0x50];
	v15 =	vadd.s32 v1, v8  }
0x4a: {  	v26 =	vadd.s32 v1, v4;
	v25 =	vld [tilespmem:s24+$0xFFFFFF90];
	[tilespmem:v13+s16+$0x0] =	vst.idx.msk $0xffff, v11  }
0x4b: {  	[tilespmem:v22+s16+$0x0] =	vst.idx.msk $0xffff, v19;
	v19 =	vld [tilespmem:s25+$0xFFFFFFF0];
	v22 =	vadd.s32 v3, v7;
	v7 =	vmov v9  }
.Ltmp2:
0x4c: {  	v17 =	vld [tilespmem:s24+$0xFFFFFFD0];
	v18 =	vadd.s32 v1, v7;
	[tilespmem:v24+s16+$0x0] =	vst.idx.msk $0xffff, v23;
	(pc) =	sbr.rel @p1 .LBB2_3-.Ltmp2, $4  }
0x4d: {  	v16 =	vadd.s32 v1, v12;
	v14 =	vld [tilespmem:s24+$0x10];
	[tilespmem:v21+s16+$0x0] =	vst.idx.msk $0xffff, v20  }
0x4e: {  	[tilespmem:v15+s16+$0x0] =	vst.idx.msk $0xffff, v10;
	v10 =	vld [tilespmem:s25+$0x30];
	v15 =	vadd.s32 v3, v5;
	v5 =	vmov v12  }
0x4f: {  	v12 =	vadd.s32 v2, v8;
	[tilespmem:v26+s16+$0x0] =	vst.idx.msk $0xffff, v25;
	v9 =	vld [tilespmem:s24+$0x60]  }
0x50: {  	s28 =	sadd.s32 $0x4, s28;
	s29 =	sadd.s32 $0x3, s26;
	v13 =	vadd.s32 v2, v4;
	v11 =	vld [tilespmem:s24+$0xFFFFFFA0];
	[tilespmem:v22+s16+$0x0] =	vst.idx.msk $0xffff, v19  }
0x51: {  	_ =	sdelay $0x2  }
0x52: {  	v19 =	vmov s29  }
0x53: {  	s28 =	sadd.s32 $0x1, s26;
	[tilespmem:v18+s16+$0x0] =	vst.idx.msk $0xffff, v17;
	v30 =	vld [tilespmem:s25+$0xFFFFFFB0];
	v6 =	vadd.s32 v3, v6;
	s31 =	sadd.s32 $0x100, s24;
	v21 =	vmov s26;
	v31 =	vand.u32 $0x7F, v19  }
0x54: {  	v32 =	vmov s28;
	s28 =	sadd.s32 $0x2, s26;
	[tilespmem:v16+s16+$0x0] =	vst.idx.msk $0xffff, v14;
	v33 =	vld [tilespmem:s31+$0x40];
	v21 =	vand.u32 $0x7C, v21;
	v34 =	vadd.s32 v0, v31  }
0x55: {  	v22 =	vld [tilespmem:s31+$0xFFFFFF80];
	v19 =	vand.u32 $0x7D, v32;
	v20 =	vmov s28;
	[tilespmem:v15+s16+$0x0] =	vst.idx.msk $0xffff, v10;
	v39 =	vadd.s32 v0, v21  }
0x56: {  	v35 =	vld [tilespmem:s31+$0xFFFFFFC0];
	v36 =	vadd.s32 v0, v19;
	v20 =	vand.u32 $0x7E, v20;
	[tilespmem:v12+s16+$0x0] =	vst.idx.msk $0xffff, v9  }
0x57: {  	v37 =	vld [tilespmem:s31+$0x0];
	v38 =	vadd.s32 v0, v20;
	[tilespmem:v13+s16+$0x0] =	vst.idx.msk $0xffff, v11  }
0x58: {  	v41 =	vadd.s32 v2, v7;
	v40 =	vld [tilespmem:s24+$0xFFFFFFE0];
	[tilespmem:v6+s16+$0x0] =	vst.idx.msk $0xffff, v30  }
0x59: {  	v49 =	vadd.s32 v2, v5;
	v48 =	vld [tilespmem:s24+$0x20];
	[tilespmem:v34+s16+$0x0] =	vst.idx.msk $0xffff, v33  }
0x5a: {  	v43 =	vadd.s32 v1, v31;
	[tilespmem:v39+s16+$0x0] =	vst.idx.msk $0xffff, v22;
	v14 =	vld [tilespmem:s31+$0x50]  }
0x5b: {  	v47 =	vadd.s32 v1, v21;
	[tilespmem:v36+s16+$0x0] =	vst.idx.msk $0xffff, v35;
	v46 =	vld [tilespmem:s31+$0xFFFFFF90]  }
0x5c: {  	v44 =	vadd.s32 v1, v19;
	v10 =	vld [tilespmem:s31+$0xFFFFFFD0];
	[tilespmem:v38+s16+$0x0] =	vst.idx.msk $0xffff, v37  }
0x5d: {  	v45 =	vadd.s32 v1, v20;
	[tilespmem:v41+s16+$0x0] =	vst.idx.msk $0xffff, v40;
	v9 =	vld [tilespmem:s31+$0x10]  }
0x5e: {  	v8 =	vadd.s32 v3, v8;
	v42 =	vld [tilespmem:s24+$0x70];
	[tilespmem:v49+s16+$0x0] =	vst.idx.msk $0xffff, v48  }
0x5f: {  	v5 =	vadd.s32 v3, v5;
	v13 =	vld [tilespmem:s24+$0x30];
	[tilespmem:v43+s16+$0x0] =	vst.idx.msk $0xffff, v14  }
0x60: {  	v52 =	vadd.s32 v2, v31;
	[tilespmem:v47+s16+$0x0] =	vst.idx.msk $0xffff, v46;
	v14 =	vld [tilespmem:s31+$0x60]  }
0x61: {  	v57 =	vadd.s32 v2, v21;
	[tilespmem:v44+s16+$0x0] =	vst.idx.msk $0xffff, v10;
	v56 =	vld [tilespmem:s31+$0xFFFFFFA0]  }
0x62: {  	v53 =	vadd.s32 v2, v19;
	v10 =	vld [tilespmem:s31+$0xFFFFFFE0];
	[tilespmem:v45+s16+$0x0] =	vst.idx.msk $0xffff, v9  }
0x63: {  	v55 =	vadd.s32 v2, v20;
	[tilespmem:v8+s16+$0x0] =	vst.idx.msk $0xffff, v42;
	v54 =	vld [tilespmem:s31+$0x20]  }
0x64: {  	v4 =	vadd.s32 v3, v4;
	v58 =	vld [tilespmem:s24+$0xFFFFFFB0];
	[tilespmem:v5+s16+$0x0] =	vst.idx.msk $0xffff, v13  }
0x65: {  	v51 =	vadd.s32 v3, v7;
	v50 =	vld [tilespmem:s24+$0xFFFFFFF0];
	[tilespmem:v52+s16+$0x0] =	vst.idx.msk $0xffff, v14  }
0x66: {  	v60 =	vadd.s32 v3, v31;
	[tilespmem:v57+s16+$0x0] =	vst.idx.msk $0xffff, v56;
	v59 =	vld [tilespmem:s31+$0x70]  }
0x67: {  	v63 =	vadd.s32 v3, v21;
	[tilespmem:v53+s16+$0x0] =	vst.idx.msk $0xffff, v10;
	v5 =	vld [tilespmem:s31+$0xFFFFFFB0]  }
0x68: {  	v61 =	vadd.s32 v3, v19;
	v10 =	vld [tilespmem:s31+$0xFFFFFFF0];
	[tilespmem:v55+s16+$0x0] =	vst.idx.msk $0xffff, v54  }
0x69: {  	v62 =	vadd.s32 v3, v20;
	[tilespmem:v4+s16+$0x0] =	vst.idx.msk $0xffff, v58;
	v6 =	vld [tilespmem:s31+$0x30]  }
0x6a: {  	[tilespmem:v51+s16+$0x0] =	vst.idx.msk $0xffff, v50  }
0x6b: {  	s26 =	sshll.u32 s22, $0x13;
	[tilespmem:v60+s16+$0x0] =	vst.idx.msk $0xffff, v59  }
0x6c: {  	s24 =	sor.u32 s4, s26;
	[tilespmem:v63+s16+$0x0] =	vst.idx.msk $0xffff, v5  }
0x6d: {  	s24 =	sshrl.u32 s24, $0x3;
	[tilespmem:v61+s16+$0x0] =	vst.idx.msk $0xffff, v10  }
0x6e: {  	s26 =	sadd.s32 s2, s24;
	s31 =	simm.s32 $0xA400;
	[tilespmem:v62+s16+$0x0] =	vst.idx.msk $0xffff, v6  }
0x6f: {  	[hbm4b:s26+s3] =	stream.linear.scatter [tilespmem:s31], [sflag:$0x3], $0x80, $0x38;
	[tilespmem:$0xE800] =	vst v63  }
0x70: {  	s28 =	sadd.s32 $0x10, s26;
	s31 =	simm.s32 $0xA488  }
0x71: {  	[hbm4b:s28+s3] =	stream.linear.scatter [tilespmem:s31], [sflag:$0x3], $0x80, $0x38;
	[tilespmem:$0xE800] =	vst v63  }
0x72: {  	s31 =	simm.s32 $0xA510;
	s28 =	sadd.s32 $0x20, s26  }
0x73: {  	[hbm4b:s28+s3] =	stream.linear.scatter [tilespmem:s31], [sflag:$0x3], $0x80, $0x38;
	[tilespmem:$0xE800] =	vst v63  }
0x74: {  	s31 =	simm.s32 $0xA598;
	s28 =	sadd.s32 $0x30, s26  }
0x75: {  	[hbm4b:s28+s3] =	stream.linear.scatter [tilespmem:s31], [sflag:$0x3], $0x80, $0x38;
	[tilespmem:$0xE800] =	vst v63  }
0x76: {  	s31 =	simm.s32 $0xA620;
	s28 =	sadd.s32 $0x40, s26  }
0x77: {  	[hbm4b:s28+s3] =	stream.linear.scatter [tilespmem:s31], [sflag:$0x3], $0x80, $0x38;
	[tilespmem:$0xE800] =	vst v63  }
0x78: {  	s25 =	simm.s32 $0x440;
	s31 =	simm.s32 $0xA6A8;
	s28 =	sadd.s32 $0x50, s26  }
0x79: {  	[hbm4b:s28+s3] =	stream.linear.scatter [tilespmem:s31], [sflag:$0x3], $0x80, $0x38;
	[tilespmem:$0xE800] =	vst v63  }
0x7a: {  	s29 =	simm.s32 $0xA7B8;
	s31 =	simm.s32 $0xA730;
	s28 =	sadd.s32 $0x60, s26  }
0x7b: {  	[hbm4b:s28+s3] =	stream.linear.scatter [tilespmem:s31], [sflag:$0x3], $0x80, $0x38;
	[tilespmem:$0xE800] =	vst v63  }
0x7c: {  	s30 =	sadd.s32 $0x70, s26;
	s26 =	sadd.s32 $0x1000, s26;
	s28 =	simm.s32 $0x2200  }
.LBB2_5:
0x7d: {  	[hbm4b:s30+s3] =	stream.linear.scatter [tilespmem:s29], [sflag:$0x3], $0x80, $0x38;
	[tilespmem:$0xE800] =	vst v63  }
0x7e: {  	s29 =	smov.u32 s25;
	s25 =	smov.u32 s28  }
0x7f: {  	s31 =	sadd.s32 $0x1100, s28;
	s25 =	sshra.s32 s25, $0x2;
	s30 =	sadd.s32 $0xA400, s29  }
0x80: {  	[hbm4b:s26+s3] =	stream.linear.scatter [tilespmem:s30], [sflag:$0x3], $0x80, $0x38;
	[tilespmem:$0xE800] =	vst v63  }
0x81: {  	p1 =	sne.s32 s28, $0x7700;
	s28 =	sadd.s32 $0xA488, s29;
	s30 =	sadd.s32 $0x10, s26  }
0x82: {  	[hbm4b:s30+s3] =	stream.linear.scatter [tilespmem:s28], [sflag:$0x3], $0x80, $0x38;
	[tilespmem:$0xE800] =	vst v63  }
0x83: {  	s28 =	sadd.s32 $0xA510, s29;
	s30 =	sadd.s32 $0x20, s26  }
0x84: {  	[hbm4b:s30+s3] =	stream.linear.scatter [tilespmem:s28], [sflag:$0x3], $0x80, $0x38;
	[tilespmem:$0xE800] =	vst v63  }
0x85: {  	s28 =	sadd.s32 $0xA598, s29;
	s30 =	sadd.s32 $0x30, s26  }
0x86: {  	[hbm4b:s30+s3] =	stream.linear.scatter [tilespmem:s28], [sflag:$0x3], $0x80, $0x38;
	[tilespmem:$0xE800] =	vst v63  }
0x87: {  	s28 =	sadd.s32 $0xA620, s29;
	s30 =	sadd.s32 $0x40, s26  }
0x88: {  	[hbm4b:s30+s3] =	stream.linear.scatter [tilespmem:s28], [sflag:$0x3], $0x80, $0x38;
	[tilespmem:$0xE800] =	vst v63  }
.Ltmp3:
0x89: {  	s28 =	sadd.s32 $0xA6A8, s29;
	s30 =	sadd.s32 $0x50, s26;
	(pc) =	sbr.rel @p1 .LBB2_5-.Ltmp3, $4  }
0x8a: {  	[hbm4b:s30+s3] =	stream.linear.scatter [tilespmem:s28], [sflag:$0x3], $0x80, $0x38;
	[tilespmem:$0xE800] =	vst v63  }
0x8b: {  	s28 =	sadd.s32 $0xA730, s29;
	s30 =	sadd.s32 $0x60, s26;
	s29 =	sadd.s32 $0xA7B8, s29  }
0x8c: {  	[hbm4b:s30+s3] =	stream.linear.scatter [tilespmem:s28], [sflag:$0x3], $0x80, $0x38;
	[tilespmem:$0xE800] =	vst v63  }
0x8d: {  	s30 =	sadd.s32 $0x70, s26;
	s26 =	sadd.s32 $0x1000, s26;
	s28 =	smov.u32 s31  }
0x8e: {  	[hbm4b:s30+s3] =	stream.linear.scatter [tilespmem:s29], [sflag:$0x3], $0x80, $0x38;
	[tilespmem:$0xE800] =	vst v63  }
0x8f: {  	s28 =	sadd.s32 $0xA400, s25  }
0x90: {  	[hbm4b:s26+s3] =	stream.linear.scatter [tilespmem:s28], [sflag:$0x3], $0x80, $0x38;
	[tilespmem:$0xE800] =	vst v63  }
0x91: {  	s30 =	sadd.s32 $0xA488, s25;
	s31 =	sadd.s32 $0x10, s26  }
0x92: {  	[hbm4b:s31+s3] =	stream.linear.scatter [tilespmem:s30], [sflag:$0x3], $0x80, $0x38;
	[tilespmem:$0xE800] =	vst v63  }
0x93: {  	s30 =	sadd.s32 $0xA510, s25;
	s31 =	sadd.s32 $0x20, s26  }
0x94: {  	[hbm4b:s31+s3] =	stream.linear.scatter [tilespmem:s30], [sflag:$0x3], $0x80, $0x38;
	[tilespmem:$0xE800] =	vst v63  }
0x95: {  	s30 =	sadd.s32 $0xA598, s25;
	s31 =	sadd.s32 $0x30, s26  }
0x96: {  	[hbm4b:s31+s3] =	stream.linear.scatter [tilespmem:s30], [sflag:$0x3], $0x80, $0x38;
	[tilespmem:$0xE800] =	vst v63  }
0x97: {  	s30 =	sadd.s32 $0xA620, s25;
	s31 =	sadd.s32 $0x40, s26  }
0x98: {  	[hbm4b:s31+s3] =	stream.linear.scatter [tilespmem:s30], [sflag:$0x3], $0x80, $0x38;
	[tilespmem:$0xE800] =	vst v63  }
0x99: {  	p1 =	sne.s32 s22, $0x63;
	s30 =	sadd.s32 $0xA6A8, s25;
	s31 =	sadd.s32 $0x50, s26  }
0x9a: {  	[hbm4b:s31+s3] =	stream.linear.scatter [tilespmem:s30], [sflag:$0x3], $0x80, $0x38;
	[tilespmem:$0xE800] =	vst v63  }
.Ltmp4:
0x9b: {  	_ = 	snop;
	(pc) =	sbr.rel @p1 .LBB2_8-.Ltmp4, $4  }
0x9c: {  	s30 =	sadd.s32 $0xA730, s25;
	s31 =	sadd.s32 $0x60, s26  }
0x9d: {  	[hbm4b:s31+s3] =	stream.linear.scatter [tilespmem:s30], [sflag:$0x3], $0x80, $0x38;
	[tilespmem:$0xE800] =	vst v63  }
0x9e: {  	s30 =	sadd.s32 $0xA7B8, s25;
	s31 =	sadd.s32 $0x70, s26  }
0x9f: {  	[hbm4b:s31+s3] =	stream.linear.scatter [tilespmem:s30], [sflag:$0x3], $0x80, $0x38;
	[tilespmem:$0xE800] =	vst v63  }
.Ltmp5:
0xa0: {  	(pc) =	sbr.rel .LBB2_9-.Ltmp5, $4  }
0xa1: {  	_ = 	snop  }
0xa2: {  	_ =	swait.ge [sflag:s17], $0x2000  }
0xa3: {  	[sflag:s17] =	ssyncset.done $0x0  }
0xa4: {  	[sflag:s17] =	ssyncadd.s32 $0xFFFFE000  }
.LBB2_8:
0xa5: {  	s25 =	sadd.s32 $0x400, s23  }
0xa6: {  	s25 =	sand.u32 $0x3FC00, s25  }
.Ltmp6:
0xa7: {  	s25 =	sshrl.u32 s25, $0x2;
	(pc) =	sbr.rel @p0 .LBB2_10-.Ltmp6, $4  }
0xa8: {  	[tilespmem:s13], [sflag:$0x1] =	stream.indirect.gather [hbm4b:s5+s12], $0x40, s25, s12, $0xb8;
	[tilespmem:$0xE800] =	vst v63  }
0xa9: {  	_ =	swait.ge [sflag:s17], $0x2000  }
0xaa: {  	[sflag:s17] =	ssyncset.done $0x0  }
0xab: {  	[sflag:s17] =	ssyncadd.s32 $0xFFFFE000  }
.LBB2_9:
0xac: {  	_ =	swait.ge [sflag:s18], $0x2000  }
0xad: {  	[sflag:s18] =	ssyncset.done $0x0  }
0xae: {  	[sflag:s18] =	ssyncadd.s32 $0xFFFFE000  }
.LBB2_10:
0xaf: {  	s25 =	simm.s32 $0x3  }
0xb0: {  	s31 =	simm.s32 $0x0;
	v4 =	vmov s25  }
0xb1: {  	s26 =	simm.s32 $0x8480;
	v5 =	vand.u32 $0x7F, v4;
	v4 =	vmov s31  }
0xb2: {  	v7 =	vld [tilespmem:s26+$0x40];
	s31 =	simm.s32 $0x1;
	v8 =	vadd.s32 v0, v5;
	v6 =	vand.u32 $0x7C, v4  }
0xb3: {  	v9 =	vld [tilespmem:s26+$0xFFFFFF80];
	v4 =	vmov s31;
	v10 =	vadd.s32 v0, v6  }
0xb4: {  	s31 =	simm.s32 $0x2;
	v11 =	vand.u32 $0x7D, v4  }
0xb5: {  	v4 =	vld [tilespmem:s26+$0xFFFFFFC0];
	v13 =	vmov s31;
	v12 =	vadd.s32 v0, v11  }
0xb6: {  	v13 =	vand.u32 $0x7E, v13  }
0xb7: {  	v14 =	vld [tilespmem:s26+$0x0];
	v15 =	vadd.s32 v0, v13;
	[tilespmem:v8+s19+$0x0] =	vst.idx.msk $0xffff, v7  }
0xb8: {  	v8 =	vadd.s32 v1, v5;
	v7 =	vld [tilespmem:s26+$0x50];
	[tilespmem:v10+s19+$0x0] =	vst.idx.msk $0xffff, v9  }
0xb9: {  	v10 =	vadd.s32 v1, v6;
	v9 =	vld [tilespmem:s26+$0xFFFFFF90]  }
0xba: {  	[tilespmem:v12+s19+$0x0] =	vst.idx.msk $0xffff, v4  }
0xbb: {  	v12 =	vadd.s32 v1, v11;
	v4 =	vld [tilespmem:s26+$0xFFFFFFD0]  }
0xbc: {  	[tilespmem:v15+s19+$0x0] =	vst.idx.msk $0xffff, v14  }
0xbd: {  	s31 =	simm.s32 $0x7;
	v16 =	vadd.s32 v1, v13;
	v15 =	vld [tilespmem:s26+$0x10];
	[tilespmem:v8+s19+$0x0] =	vst.idx.msk $0xffff, v7  }
0xbe: {  	v14 =	vadd.s32 v2, v5;
	v8 =	vmov s31;
	v7 =	vld [tilespmem:s26+$0x60];
	[tilespmem:v10+s19+$0x0] =	vst.idx.msk $0xffff, v9  }
0xbf: {  	s25 =	simm.s32 $0x8580;
	v10 =	vadd.s32 v2, v6;
	v8 =	vand.u32 $0x7F, v8;
	v9 =	vld [tilespmem:s26+$0xFFFFFFA0]  }
0xc0: {  	s28 =	simm.s32 $0x4;
	v18 =	vld [tilespmem:s25+$0x40];
	[tilespmem:v12+s19+$0x0] =	vst.idx.msk $0xffff, v4;
	v19 =	vadd.s32 v0, v8  }
0xc1: {  	v17 =	vadd.s32 v2, v11;
	v4 =	vmov s28;
	s28 =	simm.s32 $0x5;
	v12 =	vld [tilespmem:s26+$0xFFFFFFE0]  }
0xc2: {  	v4 =	vand.u32 $0x7C, v4;
	v22 =	vmov s28;
	s28 =	simm.s32 $0x6;
	[tilespmem:v16+s19+$0x0] =	vst.idx.msk $0xffff, v15  }
0xc3: {  	v20 =	vld [tilespmem:s25+$0xFFFFFF80];
	v21 =	vadd.s32 v0, v4;
	[tilespmem:v14+s19+$0x0] =	vst.idx.msk $0xffff, v7;
	v7 =	vand.u32 $0x7D, v22;
	v14 =	vmov s28  }
0xc4: {  	v16 =	vadd.s32 v3, v5;
	[tilespmem:v10+s19+$0x0] =	vst.idx.msk $0xffff, v9;
	v9 =	vld [tilespmem:s25+$0xFFFFFFC0];
	v10 =	vadd.s32 v0, v7;
	v5 =	vand.u32 $0x7E, v14  }
0xc5: {  	v14 =	vld [tilespmem:s25+$0x0];
	[tilespmem:v19+s19+$0x0] =	vst.idx.msk $0xffff, v18;
	v63 =	vadd.s32 v0, v5  }
0xc6: {  	v18 =	vadd.s32 v2, v13;
	[tilespmem:v17+s19+$0x0] =	vst.idx.msk $0xffff, v12;
	v12 =	vld [tilespmem:s26+$0x20]  }
0xc7: {  	v15 =	vld [tilespmem:s26+$0x70]  }
0xc8: {  	v19 =	vld [tilespmem:s25+$0x50];
	[tilespmem:v21+s19+$0x0] =	vst.idx.msk $0xffff, v20;
	v20 =	vadd.s32 v1, v8  }
0xc9: {  	v23 =	vadd.s32 v1, v4;
	v21 =	vld [tilespmem:s25+$0xFFFFFF90];
	[tilespmem:v10+s19+$0x0] =	vst.idx.msk $0xffff, v9  }
0xca: {  	v25 =	vadd.s32 v3, v11;
	v24 =	vld [tilespmem:s26+$0xFFFFFFF0];
	[tilespmem:v63+s19+$0x0] =	vst.idx.msk $0xffff, v14  }
0xcb: {  	v17 =	vld [tilespmem:s25+$0xFFFFFFD0];
	[tilespmem:v18+s19+$0x0] =	vst.idx.msk $0xffff, v12;
	v18 =	vadd.s32 v1, v7  }
0xcc: {  	[tilespmem:v16+s19+$0x0] =	vst.idx.msk $0xffff, v15;
	v16 =	vadd.s32 v1, v5;
	v15 =	vld [tilespmem:s25+$0x10]  }
0xcd: {  	v14 =	vadd.s32 v3, v13;
	[tilespmem:v20+s19+$0x0] =	vst.idx.msk $0xffff, v19;
	v11 =	vld [tilespmem:s26+$0x30]  }
0xce: {  	v12 =	vadd.s32 v2, v8;
	[tilespmem:v23+s19+$0x0] =	vst.idx.msk $0xffff, v21;
	v9 =	vld [tilespmem:s25+$0x60]  }
0xcf: {  	s30 =	simm.s32 $0xB;
	s29 =	simm.s32 $0xC;
	s28 =	simm.s32 $0x8;
	v13 =	vadd.s32 v2, v4;
	[tilespmem:v25+s19+$0x0] =	vst.idx.msk $0xffff, v24;
	v10 =	vld [tilespmem:s25+$0xFFFFFFA0]  }
.LBB2_11:
0xd0: {  	p0 =	slt.u32 s29, $0x7C;
	v19 =	vmov s30;
	[tilespmem:v18+s19+$0x0] =	vst.idx.msk $0xffff, v17;
	v17 =	vld [tilespmem:s26+$0xFFFFFFB0];
	v18 =	vadd.s32 v3, v6;
	v6 =	vmov v4;
	s26 =	smov.u32 s25  }
0xd1: {  	v4 =	vmov s28;
	v21 =	vadd.s32 v2, v7;
	s25 =	sadd.s32 $0x100, s25;
	v19 =	vand.u32 $0x7F, v19;
	v20 =	vld [tilespmem:s26+$0xFFFFFFE0];
	[tilespmem:v16+s19+$0x0] =	vst.idx.msk $0xffff, v15  }
0xd2: {  	s30 =	sadd.s32 $0x1, s28;
	v4 =	vand.u32 $0x7C, v4;
	v15 =	vld [tilespmem:s25+$0x40];
	v16 =	vadd.s32 v0, v19;
	[tilespmem:v14+s19+$0x0] =	vst.idx.msk $0xffff, v11  }
0xd3: {  	v22 =	vmov s30;
	s30 =	sadd.s32 $0x2, s28;
	s28 =	smov.u32 s29;
	v14 =	vadd.s32 v0, v4;
	v11 =	vld [tilespmem:s25+$0xFFFFFF80];
	[tilespmem:v12+s19+$0x0] =	vst.idx.msk $0xffff, v9  }
0xd4: {  	v9 =	vand.u32 $0x7D, v22;
	v12 =	vmov s30;
	[tilespmem:v13+s19+$0x0] =	vst.idx.msk $0xffff, v10;
	v10 =	vld [tilespmem:s26+$0x70];
	v13 =	vadd.s32 v3, v8;
	v8 =	vmovc v19  }
0xd5: {  	v22 =	vadd.s32 v0, v9;
	v12 =	vand.u32 $0x7E, v12;
	v19 =	vld [tilespmem:s25+$0xFFFFFFC0];
	[tilespmem:v18+s19+$0x0] =	vst.idx.msk $0xffff, v17  }
0xd6: {  	v24 =	vadd.s32 v0, v12;
	v23 =	vld [tilespmem:s25+$0x0];
	[tilespmem:v21+s19+$0x0] =	vst.idx.msk $0xffff, v20  }
0xd7: {  	v21 =	vadd.s32 v2, v5;
	[tilespmem:v16+s19+$0x0] =	vst.idx.msk $0xffff, v15;
	v20 =	vld [tilespmem:s26+$0x20]  }
0xd8: {  	[tilespmem:v14+s19+$0x0] =	vst.idx.msk $0xffff, v11;
	v11 =	vld [tilespmem:s25+$0x50];
	v14 =	vadd.s32 v1, v8  }
0xd9: {  	v26 =	vadd.s32 v1, v4;
	v25 =	vld [tilespmem:s25+$0xFFFFFF90];
	[tilespmem:v13+s19+$0x0] =	vst.idx.msk $0xffff, v10  }
0xda: {  	[tilespmem:v22+s19+$0x0] =	vst.idx.msk $0xffff, v19;
	v19 =	vld [tilespmem:s26+$0xFFFFFFF0];
	v22 =	vadd.s32 v3, v7;
	v7 =	vmov v9  }
.Ltmp7:
0xdb: {  	v17 =	vld [tilespmem:s25+$0xFFFFFFD0];
	v18 =	vadd.s32 v1, v7;
	[tilespmem:v24+s19+$0x0] =	vst.idx.msk $0xffff, v23;
	(pc) =	sbr.rel @p0 .LBB2_11-.Ltmp7, $4  }
0xdc: {  	v16 =	vadd.s32 v1, v12;
	v15 =	vld [tilespmem:s25+$0x10];
	[tilespmem:v21+s19+$0x0] =	vst.idx.msk $0xffff, v20  }
0xdd: {  	[tilespmem:v14+s19+$0x0] =	vst.idx.msk $0xffff, v11;
	v11 =	vld [tilespmem:s26+$0x30];
	v14 =	vadd.s32 v3, v5;
	v5 =	vmov v12  }
0xde: {  	v12 =	vadd.s32 v2, v8;
	[tilespmem:v26+s19+$0x0] =	vst.idx.msk $0xffff, v25;
	v9 =	vld [tilespmem:s25+$0x60]  }
0xdf: {  	s29 =	sadd.s32 $0x4, s29;
	s30 =	sadd.s32 $0x3, s28;
	v13 =	vadd.s32 v2, v4;
	v10 =	vld [tilespmem:s25+$0xFFFFFFA0];
	[tilespmem:v22+s19+$0x0] =	vst.idx.msk $0xffff, v19  }
0xe0: {  	_ =	sdelay $0x2  }
0xe1: {  	v19 =	vmov s30  }
0xe2: {  	s29 =	sadd.s32 $0x1, s28;
	[tilespmem:v18+s19+$0x0] =	vst.idx.msk $0xffff, v17;
	v30 =	vld [tilespmem:s26+$0xFFFFFFB0];
	v6 =	vadd.s32 v3, v6;
	s31 =	sadd.s32 $0x100, s25;
	v21 =	vmov s28;
	v31 =	vand.u32 $0x7F, v19  }
0xe3: {  	v32 =	vmov s29;
	s29 =	sadd.s32 $0x2, s28;
	[tilespmem:v16+s19+$0x0] =	vst.idx.msk $0xffff, v15;
	v33 =	vld [tilespmem:s31+$0x40];
	v21 =	vand.u32 $0x7C, v21;
	v34 =	vadd.s32 v0, v31  }
0xe4: {  	v22 =	vld [tilespmem:s31+$0xFFFFFF80];
	v19 =	vand.u32 $0x7D, v32;
	v20 =	vmov s29;
	[tilespmem:v14+s19+$0x0] =	vst.idx.msk $0xffff, v11;
	v39 =	vadd.s32 v0, v21  }
0xe5: {  	v35 =	vld [tilespmem:s31+$0xFFFFFFC0];
	v36 =	vadd.s32 v0, v19;
	v20 =	vand.u32 $0x7E, v20;
	[tilespmem:v12+s19+$0x0] =	vst.idx.msk $0xffff, v9  }
0xe6: {  	v37 =	vld [tilespmem:s31+$0x0];
	v38 =	vadd.s32 v0, v20;
	[tilespmem:v13+s19+$0x0] =	vst.idx.msk $0xffff, v10  }
0xe7: {  	v41 =	vadd.s32 v2, v7;
	v40 =	vld [tilespmem:s25+$0xFFFFFFE0];
	[tilespmem:v6+s19+$0x0] =	vst.idx.msk $0xffff, v30  }
0xe8: {  	v49 =	vadd.s32 v2, v5;
	v48 =	vld [tilespmem:s25+$0x20];
	[tilespmem:v34+s19+$0x0] =	vst.idx.msk $0xffff, v33  }
0xe9: {  	v43 =	vadd.s32 v1, v31;
	[tilespmem:v39+s19+$0x0] =	vst.idx.msk $0xffff, v22;
	v15 =	vld [tilespmem:s31+$0x50]  }
0xea: {  	v47 =	vadd.s32 v1, v21;
	[tilespmem:v36+s19+$0x0] =	vst.idx.msk $0xffff, v35;
	v46 =	vld [tilespmem:s31+$0xFFFFFF90]  }
0xeb: {  	v44 =	vadd.s32 v1, v19;
	v11 =	vld [tilespmem:s31+$0xFFFFFFD0];
	[tilespmem:v38+s19+$0x0] =	vst.idx.msk $0xffff, v37  }
0xec: {  	v45 =	vadd.s32 v1, v20;
	[tilespmem:v41+s19+$0x0] =	vst.idx.msk $0xffff, v40;
	v9 =	vld [tilespmem:s31+$0x10]  }
0xed: {  	v8 =	vadd.s32 v3, v8;
	v42 =	vld [tilespmem:s25+$0x70];
	[tilespmem:v49+s19+$0x0] =	vst.idx.msk $0xffff, v48  }
0xee: {  	v5 =	vadd.s32 v3, v5;
	v13 =	vld [tilespmem:s25+$0x30];
	[tilespmem:v43+s19+$0x0] =	vst.idx.msk $0xffff, v15  }
0xef: {  	v52 =	vadd.s32 v2, v31;
	[tilespmem:v47+s19+$0x0] =	vst.idx.msk $0xffff, v46;
	v15 =	vld [tilespmem:s31+$0x60]  }
0xf0: {  	v57 =	vadd.s32 v2, v21;
	[tilespmem:v44+s19+$0x0] =	vst.idx.msk $0xffff, v11;
	v56 =	vld [tilespmem:s31+$0xFFFFFFA0]  }
0xf1: {  	v53 =	vadd.s32 v2, v19;
	v11 =	vld [tilespmem:s31+$0xFFFFFFE0];
	[tilespmem:v45+s19+$0x0] =	vst.idx.msk $0xffff, v9  }
0xf2: {  	v55 =	vadd.s32 v2, v20;
	[tilespmem:v8+s19+$0x0] =	vst.idx.msk $0xffff, v42;
	v54 =	vld [tilespmem:s31+$0x20]  }
0xf3: {  	v4 =	vadd.s32 v3, v4;
	v58 =	vld [tilespmem:s25+$0xFFFFFFB0];
	[tilespmem:v5+s19+$0x0] =	vst.idx.msk $0xffff, v13  }
0xf4: {  	v51 =	vadd.s32 v3, v7;
	v50 =	vld [tilespmem:s25+$0xFFFFFFF0];
	[tilespmem:v52+s19+$0x0] =	vst.idx.msk $0xffff, v15  }
0xf5: {  	v60 =	vadd.s32 v3, v31;
	[tilespmem:v57+s19+$0x0] =	vst.idx.msk $0xffff, v56;
	v59 =	vld [tilespmem:s31+$0x70]  }
0xf6: {  	v63 =	vadd.s32 v3, v21;
	[tilespmem:v53+s19+$0x0] =	vst.idx.msk $0xffff, v11;
	v5 =	vld [tilespmem:s31+$0xFFFFFFB0]  }
0xf7: {  	v61 =	vadd.s32 v3, v19;
	v11 =	vld [tilespmem:s31+$0xFFFFFFF0];
	[tilespmem:v55+s19+$0x0] =	vst.idx.msk $0xffff, v54  }
0xf8: {  	v62 =	vadd.s32 v3, v20;
	[tilespmem:v4+s19+$0x0] =	vst.idx.msk $0xffff, v58;
	v6 =	vld [tilespmem:s31+$0x30]  }
0xf9: {  	[tilespmem:v51+s19+$0x0] =	vst.idx.msk $0xffff, v50  }
0xfa: {  	[tilespmem:v60+s19+$0x0] =	vst.idx.msk $0xffff, v59  }
0xfb: {  	[tilespmem:v63+s19+$0x0] =	vst.idx.msk $0xffff, v5  }
0xfc: {  	[tilespmem:v61+s19+$0x0] =	vst.idx.msk $0xffff, v11  }
0xfd: {  	s26 =	simm.s32 $0xC600;
	s25 =	sadd.s32 s24, s7;
	[tilespmem:v62+s19+$0x0] =	vst.idx.msk $0xffff, v6  }
0xfe: {  	[hbm4b:s25+s3] =	stream.linear.scatter [tilespmem:s26], [sflag:$0x4], $0x80, $0x38;
	[tilespmem:$0xE800] =	vst v63  }
0xff: {  	s30 =	simm.s32 $0xC688;
	s31 =	sadd.s32 $0x10, s25  }
0x100: {  	[hbm4b:s31+s3] =	stream.linear.scatter [tilespmem:s30], [sflag:$0x4], $0x80, $0x38;
	[tilespmem:$0xE800] =	vst v63  }
0x101: {  	s28 =	simm.s32 $0xC9B8;
	s30 =	simm.s32 $0xC710;
	s31 =	sadd.s32 $0x20, s25  }
0x102: {  	[hbm4b:s31+s3] =	stream.linear.scatter [tilespmem:s30], [sflag:$0x4], $0x80, $0x38;
	[tilespmem:$0xE800] =	vst v63  }
0x103: {  	s24 =	simm.s32 $0x440;
	s30 =	simm.s32 $0xC798;
	s31 =	sadd.s32 $0x30, s25  }
0x104: {  	[hbm4b:s31+s3] =	stream.linear.scatter [tilespmem:s30], [sflag:$0x4], $0x80, $0x38;
	[tilespmem:$0xE800] =	vst v63  }
0x105: {  	s29 =	sadd.s32 $0x70, s25;
	s30 =	simm.s32 $0xC820;
	s31 =	sadd.s32 $0x40, s25  }
0x106: {  	[hbm4b:s31+s3] =	stream.linear.scatter [tilespmem:s30], [sflag:$0x4], $0x80, $0x38;
	[tilespmem:$0xE800] =	vst v63  }
0x107: {  	s26 =	simm.s32 $0x2200;
	s30 =	simm.s32 $0xC8A8;
	s31 =	sadd.s32 $0x50, s25  }
0x108: {  	[hbm4b:s31+s3] =	stream.linear.scatter [tilespmem:s30], [sflag:$0x4], $0x80, $0x38;
	[tilespmem:$0xE800] =	vst v63  }
0x109: {  	s30 =	simm.s32 $0xC930;
	s31 =	sadd.s32 $0x60, s25;
	s25 =	sadd.s32 $0x1000, s25  }
0x10a: {  	[hbm4b:s31+s3] =	stream.linear.scatter [tilespmem:s30], [sflag:$0x4], $0x80, $0x38;
	[tilespmem:$0xE800] =	vst v63  }
.LBB2_13:
0x10b: {  	[hbm4b:s29+s3] =	stream.linear.scatter [tilespmem:s28], [sflag:$0x4], $0x80, $0x38;
	[tilespmem:$0xE800] =	vst v63  }
0x10c: {  	s28 =	smov.u32 s24;
	s24 =	smov.u32 s26  }
0x10d: {  	s30 =	sadd.s32 $0x1100, s26;
	s24 =	sshra.s32 s24, $0x2;
	s29 =	sadd.s32 $0xC600, s28  }
0x10e: {  	[hbm4b:s25+s3] =	stream.linear.scatter [tilespmem:s29], [sflag:$0x4], $0x80, $0x38;
	[tilespmem:$0xE800] =	vst v63  }
0x10f: {  	p0 =	sne.s32 s26, $0x7700;
	s26 =	sadd.s32 $0xC688, s28;
	s29 =	sadd.s32 $0x10, s25  }
0x110: {  	[hbm4b:s29+s3] =	stream.linear.scatter [tilespmem:s26], [sflag:$0x4], $0x80, $0x38;
	[tilespmem:$0xE800] =	vst v63  }
0x111: {  	s26 =	sadd.s32 $0xC710, s28;
	s29 =	sadd.s32 $0x20, s25  }
0x112: {  	[hbm4b:s29+s3] =	stream.linear.scatter [tilespmem:s26], [sflag:$0x4], $0x80, $0x38;
	[tilespmem:$0xE800] =	vst v63  }
0x113: {  	s26 =	sadd.s32 $0xC798, s28;
	s29 =	sadd.s32 $0x30, s25  }
0x114: {  	[hbm4b:s29+s3] =	stream.linear.scatter [tilespmem:s26], [sflag:$0x4], $0x80, $0x38;
	[tilespmem:$0xE800] =	vst v63  }
0x115: {  	s26 =	sadd.s32 $0xC820, s28;
	s29 =	sadd.s32 $0x40, s25  }
0x116: {  	[hbm4b:s29+s3] =	stream.linear.scatter [tilespmem:s26], [sflag:$0x4], $0x80, $0x38;
	[tilespmem:$0xE800] =	vst v63  }
.Ltmp8:
0x117: {  	s26 =	sadd.s32 $0xC8A8, s28;
	s29 =	sadd.s32 $0x50, s25;
	(pc) =	sbr.rel @p0 .LBB2_13-.Ltmp8, $4  }
0x118: {  	[hbm4b:s29+s3] =	stream.linear.scatter [tilespmem:s26], [sflag:$0x4], $0x80, $0x38;
	[tilespmem:$0xE800] =	vst v63  }
0x119: {  	s26 =	sadd.s32 $0xC930, s28;
	s29 =	sadd.s32 $0x60, s25;
	s28 =	sadd.s32 $0xC9B8, s28  }
0x11a: {  	[hbm4b:s29+s3] =	stream.linear.scatter [tilespmem:s26], [sflag:$0x4], $0x80, $0x38;
	[tilespmem:$0xE800] =	vst v63  }
0x11b: {  	s29 =	sadd.s32 $0x70, s25;
	s25 =	sadd.s32 $0x1000, s25;
	s26 =	smov.u32 s30  }
0x11c: {  	[hbm4b:s29+s3] =	stream.linear.scatter [tilespmem:s28], [sflag:$0x4], $0x80, $0x38;
	[tilespmem:$0xE800] =	vst v63  }
0x11d: {  	s26 =	sadd.s32 $0xC600, s24  }
0x11e: {  	[hbm4b:s25+s3] =	stream.linear.scatter [tilespmem:s26], [sflag:$0x4], $0x80, $0x38;
	[tilespmem:$0xE800] =	vst v63  }
0x11f: {  	s30 =	sadd.s32 $0xC688, s24;
	s31 =	sadd.s32 $0x10, s25  }
0x120: {  	[hbm4b:s31+s3] =	stream.linear.scatter [tilespmem:s30], [sflag:$0x4], $0x80, $0x38;
	[tilespmem:$0xE800] =	vst v63  }
0x121: {  	s29 =	sadd.s32 $0xC710, s24;
	s30 =	sadd.s32 $0x20, s25  }
0x122: {  	[hbm4b:s30+s3] =	stream.linear.scatter [tilespmem:s29], [sflag:$0x4], $0x80, $0x38;
	[tilespmem:$0xE800] =	vst v63  }
0x123: {  	s31 =	sadd.s32 $0xC798, s24;
	s29 =	sadd.s32 $0x30, s25  }
0x124: {  	[hbm4b:s29+s3] =	stream.linear.scatter [tilespmem:s31], [sflag:$0x4], $0x80, $0x38;
	[tilespmem:$0xE800] =	vst v63  }
0x125: {  	s30 =	sadd.s32 $0xC820, s24;
	s31 =	sadd.s32 $0x40, s25  }
0x126: {  	[hbm4b:s31+s3] =	stream.linear.scatter [tilespmem:s30], [sflag:$0x4], $0x80, $0x38;
	[tilespmem:$0xE800] =	vst v63  }
0x127: {  	p0 =	seq.s32 s22, $0x63;
	s29 =	sadd.s32 $0xC8A8, s24;
	s30 =	sadd.s32 $0x50, s25  }
0x128: {  	[hbm4b:s30+s3] =	stream.linear.scatter [tilespmem:s29], [sflag:$0x4], $0x80, $0x38;
	[tilespmem:$0xE800] =	vst v63  }
.Ltmp9:
0x129: {  	_ = 	snop;
	(pc) =	sbr.rel @p0 .LBB2_16-.Ltmp9, $4  }
0x12a: {  	s31 =	sadd.s32 $0xC930, s24;
	s29 =	sadd.s32 $0x60, s25  }
0x12b: {  	[hbm4b:s29+s3] =	stream.linear.scatter [tilespmem:s31], [sflag:$0x4], $0x80, $0x38;
	[tilespmem:$0xE800] =	vst v63  }
0x12c: {  	s30 =	sadd.s32 $0xC9B8, s24;
	s31 =	sadd.s32 $0x70, s25  }
0x12d: {  	[hbm4b:s31+s3] =	stream.linear.scatter [tilespmem:s30], [sflag:$0x4], $0x80, $0x38;
	[tilespmem:$0xE800] =	vst v63  }
.Ltmp10:
0x12e: {  	(pc) =	sbr.rel .LBB2_2-.Ltmp10, $4  }
0x12f: {  	s23 =	sadd.s32 $0x600, s23  }
0x130: {  	s23 =	sand.u32 $0x3FE00, s23  }
0x131: {  	s22 =	sadd.s32 $0x1, s22;
	s23 =	sshrl.u32 s23, $0x2  }
0x132: {  	[tilespmem:s14], [sflag:$0x2] =	stream.indirect.gather [hbm4b:s5+s12], $0x40, s23, s12, $0xb8;
	[tilespmem:$0xE800] =	vst v63  }
.LBB2_17:
0x133: {  	_ =	sfence.sel $0x180000  }
0x134: {  	[bflag:$0x0] =	sbarrier.arrive $0xFFFF  }
0x135: {  	p0 =	sne.s32 s1, $0x0;
	_ =	strace $0x90000047  }
0x136: {  	s0 =	sadd.s32 @!p0 $0x100000, s0;
	[bflag:$0x2] =	sbarrier.arrive $0xFFFF  }
0x137: {  	[sflag:s0] =	ssyncadd.tile.s32 @!p0 $0x1;
	_ =	shalt  }
.Lfunc_end2:
_tile_overlayer_lowered:
.L_overlay_start_2:
0x138: {  	(tag) =	ssettag $0x2  }
0x139: {  	s0 =	rddreg [dreg:$0x0];
	s2 =	stileid.u32  }
0x13a: {  	s1 =	rddreg [dreg:$0x1];
	p0 =	sne.s32 s2, $0x0  }
0x13b: {  	s3 =	rddreg [dreg:$0x2];
	[bflag:$0x3] =	sbarrier.arrive $0xFFFF;
	s2 =	simm.s32 @!p0 $0x1C05  }
0x13c: {  	[timem:s3], [sflag:s2] =	dma.local @!p0 [hbm:s0], s1  }
0x13d: {  	s0 =	simm.s32 @!p0 $0x5  }
0x13e: {  	_ =	swait.ge @!p0 [sflag:s0], s1  }
0x13f: {  	s1 =	ssub.s32 @!p0 $0x0, s1;
	[sflag:s0] =	ssyncset.done @!p0 $0x0  }
0x140: {  	[sflag:s0] =	ssyncadd.s32 @!p0 s1  }
0x141: {  	[bflag:$0x3] =	sbarrier.arrive $0xFFFF  }
0x142: {  	_ =	shalt  }

</sc_bundles>
